<compile_context>
chip_gen: v7x
topology: tpu7x:2x2x1
jax: 0.10.2.dev20260603
libtpu: 0.0.44.dev20260713+nightly
codegen_flags: <defaults>
</compile_context>

<pallas_src>
import functools

import jax
import jax.numpy as jnp
from jax import lax
from jax.experimental import pallas as pl
from jax.experimental.pallas import tpu as pltpu
from jax.experimental.pallas import tpu_sc as plsc

_NC = 2
_NS = 16
_CHUNK = 128


def _sc_mesh():
    return plsc.VectorSubcoreMesh(core_axis_name="c", subcore_axis_name="s")


def _deg_partials(dst_pad, ones16, zer16, n_pad, e_pad):
    per_tile = e_pad // (_NC * _NS)
    n_chunks = per_tile // _CHUNK
    rows_pt = n_pad // _NS

    @functools.partial(
        pl.kernel,
        out_type=jax.ShapeDtypeStruct((2 * n_pad, 128), jnp.float32),
        mesh=_sc_mesh(),
        scratch_types=(pltpu.VMEM((_CHUNK, 128), jnp.float32),
                       pltpu.VMEM((n_chunks, _CHUNK), jnp.int32),
                       pltpu.SemaphoreType.DMA,
                       pltpu.VMEM_SHARED((n_pad, 128), jnp.float32)),
    )
    def run(dst_hbm, ones_hbm, zer_hbm, degp_hbm, ones_v, didx, ssem, deg_sh):
        c = lax.axis_index("c")
        s = lax.axis_index("s")
        r0 = s * rows_pt
        crow0 = (c * _NS + s) * n_chunks
        pltpu.sync_copy(dst_hbm.at[pl.ds(crow0, n_chunks)], didx)
        pltpu.sync_copy(zer_hbm.at[pl.ds(r0, rows_pt)],
                        deg_sh.at[pl.ds(r0, rows_pt)])
        pltpu.sync_copy(ones_hbm, ones_v)
        plsc.subcore_barrier()

        @pl.loop(0, n_chunks)
        def _(k):
            pltpu.make_async_copy(ones_v, deg_sh.at[didx.at[k]],
                                  ssem).start(add=True)

        @pl.loop(0, n_chunks)
        def _(k):
            pltpu.make_async_copy(ones_v, deg_sh.at[didx.at[0]], ssem).wait()

        plsc.subcore_barrier()
        pltpu.sync_copy(deg_sh.at[pl.ds(r0, rows_pt)],
                        degp_hbm.at[pl.ds(c * n_pad + r0, rows_pt)])

    degp = run(dst_pad, ones16, zer16)
    return degp[:n_pad], degp[n_pad:]


def _edge_scatter(src_pad, dst_pad, ya, yb, zer, n_pad, e_pad, half):
    n_chunks = e_pad // (_NS * _CHUNK)
    rows_pt = n_pad // _NS
    nbuf = 2
    assert n_chunks % nbuf == 0

    @functools.partial(
        pl.kernel,
        out_type=(jax.ShapeDtypeStruct((n_pad, half), jnp.float32),
                  jax.ShapeDtypeStruct((n_pad, half), jnp.float32)),
        mesh=_sc_mesh(),
        scratch_types=(pltpu.VMEM((n_chunks, _CHUNK), jnp.int32),
                       pltpu.VMEM((_CHUNK, half), jnp.float32),
                       pltpu.VMEM((_CHUNK, half), jnp.float32),
                       pltpu.VMEM((_CHUNK,), jnp.int32),
                       pltpu.VMEM((_CHUNK,), jnp.int32),
                       pltpu.SemaphoreType.DMA,
                       pltpu.SemaphoreType.DMA,
                       pltpu.SemaphoreType.DMA,
                       pltpu.SemaphoreType.DMA,
                       pltpu.SemaphoreType.DMA,
                       pltpu.SemaphoreType.DMA,
                       pltpu.VMEM_SHARED((n_pad, half), jnp.float32)),
    )
    def run(src_hbm, dst_hbm, ya_hbm, yb_hbm, zer_hbm, acca_hbm, accb_hbm,
            sidx, b0, b1, di0, di1, g0, g1, s0, s1, e0, e1, acc_sh):
        c = lax.axis_index("c")
        s = lax.axis_index("s")
        r0 = s * rows_pt
        crow0 = s * n_chunks
        bufs = (b0, b1)
        didxs = (di0, di1)
        gsems = (g0, g1)
        ssems = (s0, s1)
        dsems = (e0, e1)
        pltpu.sync_copy(src_hbm.at[pl.ds(crow0, n_chunks)], sidx)
        pltpu.sync_copy(zer_hbm.at[pl.ds(r0, rows_pt)],
                        acc_sh.at[pl.ds(r0, rows_pt)])
        plsc.subcore_barrier()

        def pipeline(ytab_hbm):
            def gather_start(k, b):
                pltpu.make_async_copy(ytab_hbm.at[sidx.at[k]], bufs[b],
                                      gsems[b]).start()

            def gather_wait(b):
                pltpu.make_async_copy(ytab_hbm.at[sidx.at[0]], bufs[b],
                                      gsems[b]).wait()

            def didx_start(k, b):
                pltpu.make_async_copy(dst_hbm.at[crow0 + k], didxs[b],
                                      dsems[b]).start()

            def didx_wait(b):
                pltpu.make_async_copy(dst_hbm.at[crow0], didxs[b],
                                      dsems[b]).wait()

            def scat_start(b):
                pltpu.make_async_copy(bufs[b], acc_sh.at[didxs[b]],
                                      ssems[b]).start(add=True)

            def scat_wait(b):
                pltpu.make_async_copy(bufs[b], acc_sh.at[didxs[b]],
                                      ssems[b]).wait()

            for b in range(nbuf):
                gather_start(b, b)
                didx_start(b, b)

            @pl.loop(0, n_chunks, step=nbuf)
            def _(i):
                for b in range(nbuf):
                    k = i + b
                    gather_wait(b)
                    didx_wait(b)
                    scat_start(b)

                    @pl.when(k + nbuf < n_chunks)
                    def _():
                        scat_wait(b)
                        gather_start(k + nbuf, b)
                        didx_start(k + nbuf, b)

            for b in range(nbuf):
                scat_wait(b)

        @pl.when(c == 0)
        def _():
            pipeline(ya_hbm)

        @pl.when(c == 1)
        def _():
            pipeline(yb_hbm)

        plsc.subcore_barrier()

        @pl.when(c == 0)
        def _():
            pltpu.sync_copy(acc_sh.at[pl.ds(r0, rows_pt)],
                            acca_hbm.at[pl.ds(r0, rows_pt)])

        @pl.when(c == 1)
        def _():
            pltpu.sync_copy(acc_sh.at[pl.ds(r0, rows_pt)],
                            accb_hbm.at[pl.ds(r0, rows_pt)])

    return run(src_pad, dst_pad, ya, yb, zer)


def _dis_block(dega_ref, degb_ref):
    deg = 1.0 + dega_ref[:, 0:1] + degb_ref[:, 0:1]
    return lax.rsqrt(deg)


def _mm_only(x, w1, n, d, blk):
    grid = n // blk

    def body(x_ref, w_ref, xw_ref):
        xw_ref[...] = jnp.dot(x_ref[...], w_ref[...],
                              preferred_element_type=jnp.float32)

    return pl.pallas_call(
        body,
        grid=(grid,),
        in_specs=[
            pl.BlockSpec((blk, d), lambda i: (i, 0)),
            pl.BlockSpec((d, d), lambda i: (0, 0)),
        ],
        out_specs=pl.BlockSpec((blk, d), lambda i: (i, 0)),
        out_shape=jax.ShapeDtypeStruct((n, d), jnp.float32),
    )(x, w1)


def _scale_split(xw, dega, degb, n, d, half, blk):
    grid = n // blk

    def body(xw_ref, dega_ref, degb_ref, ya_ref, yb_ref):
        dis = _dis_block(dega_ref, degb_ref)
        y = xw_ref[...] * dis
        ya_ref[...] = y[:, :half]
        yb_ref[...] = y[:, half:]

    return pl.pallas_call(
        body,
        grid=(grid,),
        in_specs=[
            pl.BlockSpec((blk, d), lambda i: (i, 0)),
            pl.BlockSpec((blk, 128), lambda i: (i, 0)),
            pl.BlockSpec((blk, 128), lambda i: (i, 0)),
        ],
        out_specs=[
            pl.BlockSpec((blk, half), lambda i: (i, 0)),
            pl.BlockSpec((blk, half), lambda i: (i, 0)),
        ],
        out_shape=[jax.ShapeDtypeStruct((n, half), jnp.float32),
                   jax.ShapeDtypeStruct((n, half), jnp.float32)],
    )(xw, dega, degb)


def _layer2_mm(acca, accb, ya, yb, dega, degb, b1r, w2, n, d, half, blk):
    grid = n // blk

    def body(acca_ref, accb_ref, ya_ref, yb_ref, dega_ref, degb_ref,
             b_ref, w_ref, y2a_ref, y2b_ref):
        dis = _dis_block(dega_ref, degb_ref)
        b = b_ref[...]
        ha = (acca_ref[...] + ya_ref[...]) * dis + b[:, :half]
        hb = (accb_ref[...] + yb_ref[...]) * dis + b[:, half:]
        h = jax.nn.relu(jnp.concatenate([ha, hb], axis=1))
        xw = jnp.dot(h, w_ref[...], preferred_element_type=jnp.float32)
        y2 = xw * dis
        y2a_ref[...] = y2[:, :half]
        y2b_ref[...] = y2[:, half:]

    return pl.pallas_call(
        body,
        grid=(grid,),
        in_specs=[
            pl.BlockSpec((blk, half), lambda i: (i, 0)),
            pl.BlockSpec((blk, half), lambda i: (i, 0)),
            pl.BlockSpec((blk, half), lambda i: (i, 0)),
            pl.BlockSpec((blk, half), lambda i: (i, 0)),
            pl.BlockSpec((blk, 128), lambda i: (i, 0)),
            pl.BlockSpec((blk, 128), lambda i: (i, 0)),
            pl.BlockSpec((1, d), lambda i: (0, 0)),
            pl.BlockSpec((d, d), lambda i: (0, 0)),
        ],
        out_specs=[
            pl.BlockSpec((blk, half), lambda i: (i, 0)),
            pl.BlockSpec((blk, half), lambda i: (i, 0)),
        ],
        out_shape=[jax.ShapeDtypeStruct((n, half), jnp.float32),
                   jax.ShapeDtypeStruct((n, half), jnp.float32)],
    )(acca, accb, ya, yb, dega, degb, b1r, w2)


def _final_combine(acca, accb, y2a, y2b, dega, degb, b2r, n, d, half, blk):
    grid = n // blk

    def body(acca_ref, accb_ref, ya_ref, yb_ref, dega_ref, degb_ref,
             b_ref, out_ref):
        dis = _dis_block(dega_ref, degb_ref)
        b = b_ref[...]
        oa = (acca_ref[...] + ya_ref[...]) * dis + b[:, :half]
        ob = (accb_ref[...] + yb_ref[...]) * dis + b[:, half:]
        out_ref[...] = jnp.concatenate([oa, ob], axis=1)

    return pl.pallas_call(
        body,
        grid=(grid,),
        in_specs=[
            pl.BlockSpec((blk, half), lambda i: (i, 0)),
            pl.BlockSpec((blk, half), lambda i: (i, 0)),
            pl.BlockSpec((blk, half), lambda i: (i, 0)),
            pl.BlockSpec((blk, half), lambda i: (i, 0)),
            pl.BlockSpec((blk, 128), lambda i: (i, 0)),
            pl.BlockSpec((blk, 128), lambda i: (i, 0)),
            pl.BlockSpec((1, d), lambda i: (0, 0)),
        ],
        out_specs=pl.BlockSpec((blk, d), lambda i: (i, 0)),
        out_shape=jax.ShapeDtypeStruct((n, d), jnp.float32),
    )(acca, accb, y2a, y2b, dega, degb, b2r)


def kernel(x, edge_index, W1, b1, W2, b2):
    n, d = x.shape
    e = edge_index.shape[1]
    half = d // 2

    align = 4 * _NC * _NS * _CHUNK
    e_pad = -(-e // align) * align
    pad = e_pad - e
    n_pad = -(-(n + 16) // (8 * _NS)) * (8 * _NS)
    pad_dst = n + (jnp.arange(pad, dtype=jnp.int32) % 16)
    src_pad = jnp.concatenate(
        [edge_index[0], jnp.zeros((pad,), jnp.int32)])
    dst_pad = jnp.concatenate([edge_index[1], pad_dst])
    src2d = src_pad.reshape(e_pad // _CHUNK, _CHUNK)
    dst2d = dst_pad.reshape(e_pad // _CHUNK, _CHUNK)

    zer = jnp.zeros((n_pad, half), jnp.float32)
    ones_rows = jnp.ones((_CHUNK, 128), jnp.float32)
    b1r = b1.reshape(1, d)
    b2r = b2.reshape(1, d)

    blk = 2000 if n % 2000 == 0 else 8 * (n // 8)
    while n % blk:
        blk -= 8

    xw1 = _mm_only(x, W1, n, d, blk)
    dega, degb = _deg_partials(dst2d, ones_rows, zer, n_pad, e_pad)
    ya, yb = _scale_split(xw1, dega, degb, n, d, half, blk)
    acc1a, acc1b = _edge_scatter(src2d, dst2d, ya, yb, zer,
                                 n_pad, e_pad, half)
    y2a, y2b = _layer2_mm(acc1a, acc1b, ya, yb, dega, degb, b1r, W2,
                          n, d, half, blk)
    acc2a, acc2b = _edge_scatter(src2d, dst2d, y2a, y2b, zer,
                                 n_pad, e_pad, half)
    return _final_combine(acc2a, acc2b, y2a, y2b, dega, degb, b2r,
                          n, d, half, blk)

# --- scband reference (transcript-rebuilt; emitter-appended) ---
"""Pipeline reference for scband-gcn-75213467287963 (READ-ONLY COPY).

The authoritative reference and input builder live on the scoring server;
editing this copy changes nothing except your own understanding.
"""

import jax, jax.numpy as jnp
import numpy as np

N = 10000
E = 160000
D = 256


def gcn_conv(x, src, dst, W, b, num_nodes):
    # x' = D^{-1/2} (A + I) D^{-1/2} X W + b  (PyG GCNConv with self-loops)
    x = x @ W
    deg = jax.ops.segment_sum(jnp.ones_like(dst, dtype=x.dtype), dst, num_segments=num_nodes)
    deg_inv_sqrt = jnp.where(deg > 0, deg ** -0.5, 0.0)
    norm = deg_inv_sqrt[src] * deg_inv_sqrt[dst]
    msg = x[src] * norm[:, None]
    out = jax.ops.segment_sum(msg, dst, num_segments=num_nodes)
    return out + b


def setup_inputs(seed: int = 0) -> dict:
    key = jax.random.key(seed)
    k1, k2, k3, k4, k5, k6 = jax.random.split(key, 6)
    x = jax.random.normal(k1, (N, D), dtype=jnp.float32)
    edge_index = jax.random.randint(k2, (2, E), 0, N, dtype=jnp.int32)
    W1 = jax.random.normal(k3, (D, D), dtype=jnp.float32) * (1.0 / np.sqrt(D))
    b1 = jnp.zeros((D,), dtype=jnp.float32)
    W2 = jax.random.normal(k4, (D, D), dtype=jnp.float32) * (1.0 / np.sqrt(D))
    b2 = jnp.zeros((D,), dtype=jnp.float32)
    return {"x": x, "edge_index": edge_index, "W1": W1, "b1": b1, "W2": W2, "b2": b2}


def reference(x, edge_index, W1, b1, W2, b2):
    num_nodes = x.shape[0]
    loop = jnp.arange(num_nodes, dtype=edge_index.dtype)
    src = jnp.concatenate([edge_index[0], loop])
    dst = jnp.concatenate([edge_index[1], loop])
    h = gcn_conv(x, src, dst, W1, b1, num_nodes)
    h = jax.nn.relu(h)
    h = gcn_conv(h, src, dst, W2, b2, num_nodes)
    # pool_func is None -> module returns (feats, None); we return feats
    return h

if __name__ == "__main__":
    import jax
    _d = setup_inputs()
    print(jax.jit(kernel)(*tuple(_d.values())))

</pallas_src>

<mosaic_0001>
#map = affine_map<(d0, d1) -> (0, 0)>
module attributes {stable_mosaic.version = 14 : i64} {
  func.func @run(%arg0: i32, %arg1: i32, %arg2: memref<1280x128xi32, #tpu.memory_space<hbm>>, %arg3: memref<1280x128xi32, #tpu.memory_space<hbm>>, %arg4: memref<10000x128xf32, #tpu.memory_space<hbm>>, %arg5: memref<10000x128xf32, #tpu.memory_space<hbm>>, %arg6: memref<10112x128xf32, #tpu.memory_space<hbm>>, %arg7: memref<10112x128xf32, #tpu.memory_space<hbm>>, %arg8: memref<10112x128xf32, #tpu.memory_space<hbm>>, %arg9: memref<80x128xi32, #tpu.memory_space<vmem>>, %arg10: memref<128x128xf32, #tpu.memory_space<vmem>>, %arg11: memref<128x128xf32, #tpu.memory_space<vmem>>, %arg12: memref<128xi32, #tpu.memory_space<vmem>>, %arg13: memref<128xi32, #tpu.memory_space<vmem>>, %arg14: memref<!tpu.dma_semaphore, #tpu.memory_space<semaphore_mem>>, %arg15: memref<!tpu.dma_semaphore, #tpu.memory_space<semaphore_mem>>, %arg16: memref<!tpu.dma_semaphore, #tpu.memory_space<semaphore_mem>>, %arg17: memref<!tpu.dma_semaphore, #tpu.memory_space<semaphore_mem>>, %arg18: memref<!tpu.dma_semaphore, #tpu.memory_space<semaphore_mem>>, %arg19: memref<!tpu.dma_semaphore, #tpu.memory_space<semaphore_mem>>, %arg20: memref<10112x128xf32, #tpu.memory_space<vmem_shared>>) attributes {dimension_semantics = [#tpu.dimension_semantics<core_parallel>, #tpu.dimension_semantics<subcore_parallel>], iteration_bounds = array<i64: 2, 16>, scalar_prefetch = 0 : i64, scratch_operands = 12 : i64, tpu.core_type = #tpu.core_type<sc_vector_subcore>, window_params = [{transform_indices = #map}, {transform_indices = #map}, {transform_indices = #map}, {transform_indices = #map}, {transform_indices = #map}, {transform_indices = #map}, {transform_indices = #map}]} {
    %mul3A = arith.constant 632 : i32
    %mul3A_0 = arith.muli %arg1, %mul3A : i32
    %mul3A_1 = arith.constant 80 : i32
    %mul3A_2 = arith.muli %arg1, %mul3A_1 : i32
    "tpu.region"() ({
      %run_scoped3A = tpu.sem_alloc : memref<!tpu.dma_semaphore, #tpu.memory_space<semaphore_mem>>
      %dma_start3A = arith.constant 0 : i32
      %dma_start3A_21 = tpu.memref_slice %arg2[%mul3A_2, %dma_start3A] : memref<1280x128xi32, #tpu.memory_space<hbm>> -> memref<80x128xi32, #tpu.memory_space<hbm>>
      %dma_start3A_22 = arith.constant 0 : i32
      %dma_start3A_23 = tpu.memref_slice %arg2[%mul3A_2, %dma_start3A_22] : memref<1280x128xi32, #tpu.memory_space<hbm>> -> memref<80x128xi32, #tpu.memory_space<hbm>>
      tpu.enqueue_dma source(%dma_start3A_23 : memref<80x128xi32, #tpu.memory_space<hbm>>) target(%arg9 : memref<80x128xi32, #tpu.memory_space<vmem>>) target_semaphore(%run_scoped3A : memref<!tpu.dma_semaphore, #tpu.memory_space<semaphore_mem>>)
      %dma_wait3A = arith.constant 0 : i32
      %dma_wait3A_24 = tpu.memref_slice %arg2[%mul3A_2, %dma_wait3A] : memref<1280x128xi32, #tpu.memory_space<hbm>> -> memref<80x128xi32, #tpu.memory_space<hbm>>
      %dma_wait3A_25 = arith.constant 0 : i32
      %dma_wait3A_26 = tpu.memref_slice %arg2[%mul3A_2, %dma_wait3A_25] : memref<1280x128xi32, #tpu.memory_space<hbm>> -> memref<80x128xi32, #tpu.memory_space<hbm>>
      tpu.wait_dma2 semaphore(%run_scoped3A : memref<!tpu.dma_semaphore, #tpu.memory_space<semaphore_mem>>) src(%dma_wait3A_26 : memref<80x128xi32, #tpu.memory_space<hbm>>) dst(%arg9 : memref<80x128xi32, #tpu.memory_space<vmem>>)
      tpu.yield
    }) : () -> ()
    "tpu.region"() ({
      %run_scoped3A = tpu.sem_alloc : memref<!tpu.dma_semaphore, #tpu.memory_space<semaphore_mem>>
      %dma_start3A = arith.constant 0 : i32
      %dma_start3A_21 = tpu.memref_slice %arg20[%mul3A_0, %dma_start3A] : memref<10112x128xf32, #tpu.memory_space<vmem_shared>> -> memref<632x128xf32, #tpu.memory_space<vmem_shared>>
      %dma_start3A_22 = arith.constant 0 : i32
      %dma_start3A_23 = tpu.memref_slice %arg6[%mul3A_0, %dma_start3A_22] : memref<10112x128xf32, #tpu.memory_space<hbm>> -> memref<632x128xf32, #tpu.memory_space<hbm>>
      tpu.enqueue_dma source(%dma_start3A_23 : memref<632x128xf32, #tpu.memory_space<hbm>>) target(%dma_start3A_21 : memref<632x128xf32, #tpu.memory_space<vmem_shared>>) target_semaphore(%run_scoped3A : memref<!tpu.dma_semaphore, #tpu.memory_space<semaphore_mem>>)
      %dma_wait3A = arith.constant 0 : i32
      %dma_wait3A_24 = tpu.memref_slice %arg20[%mul3A_0, %dma_wait3A] : memref<10112x128xf32, #tpu.memory_space<vmem_shared>> -> memref<632x128xf32, #tpu.memory_space<vmem_shared>>
      %dma_wait3A_25 = arith.constant 0 : i32
      %dma_wait3A_26 = tpu.memref_slice %arg6[%mul3A_0, %dma_wait3A_25] : memref<10112x128xf32, #tpu.memory_space<hbm>> -> memref<632x128xf32, #tpu.memory_space<hbm>>
      tpu.wait_dma2 semaphore(%run_scoped3A : memref<!tpu.dma_semaphore, #tpu.memory_space<semaphore_mem>>) src(%dma_wait3A_26 : memref<632x128xf32, #tpu.memory_space<hbm>>) dst(%dma_wait3A_24 : memref<632x128xf32, #tpu.memory_space<vmem_shared>>)
      tpu.yield
    }) : () -> ()
    %barrier3A = arith.constant 0 : index
    tpu.barrier barrier_id(%barrier3A)
    %eq3A = arith.constant 0 : i32
    %eq3A_3 = arith.cmpi eq, %arg0, %eq3A : i32
    %convert_element_type3A = arith.extui %eq3A_3 : i1 to i32
    %cond3A = arith.constant 0 : i32
    %cond3A_4 = arith.cmpi ne, %convert_element_type3A, %cond3A : i32
    scf.if %cond3A_4 {
      %dma_start3A = arith.constant 0 : i32
      %dma_start3A_21 = arith.constant 0 : i32
      %dma_start3A_22 = tpu.memref_slice %arg9[%dma_start3A, %dma_start3A_21] : memref<80x128xi32, #tpu.memory_space<vmem>> -> memref<1x128xi32, #tpu.memory_space<vmem>>
      %dma_start3A_23 = tpu.memref_squeeze %dma_start3A_22 : memref<1x128xi32, #tpu.memory_space<vmem>> -> memref<128xi32, #tpu.memory_space<vmem>>
      %dma_start3A_24 = arith.constant 0 : i32
      %dma_start3A_25 = arith.constant 0 : i32
      %dma_start3A_26 = tpu.memref_slice %arg4[%dma_start3A_24, %dma_start3A_25] : memref<10000x128xf32, #tpu.memory_space<hbm>> -> memref<10000x128xf32, #tpu.memory_space<hbm>>
      tpu.enqueue_indirect_dma source(%dma_start3A_26 : memref<10000x128xf32, #tpu.memory_space<hbm>>) target(%arg10 : memref<128x128xf32, #tpu.memory_space<vmem>>) offsets(%dma_start3A_23 : memref<128xi32, #tpu.memory_space<vmem>>) semaphore(%arg14 : memref<!tpu.dma_semaphore, #tpu.memory_space<semaphore_mem>>)
      %add3A = arith.constant 0 : i32
      %add3A_27 = arith.addi %mul3A_2, %add3A : i32
      %dma_start3A_28 = arith.constant 0 : i32
      %dma_start3A_29 = tpu.memref_slice %arg3[%add3A_27, %dma_start3A_28] : memref<1280x128xi32, #tpu.memory_space<hbm>> -> memref<1x128xi32, #tpu.memory_space<hbm>>
      %dma_start3A_30 = tpu.memref_squeeze %dma_start3A_29 : memref<1x128xi32, #tpu.memory_space<hbm>> -> memref<128xi32, #tpu.memory_space<hbm>>
      %dma_start3A_31 = arith.constant 0 : i32
      %dma_start3A_32 = tpu.memref_slice %arg3[%add3A_27, %dma_start3A_31] : memref<1280x128xi32, #tpu.memory_space<hbm>> -> memref<1x128xi32, #tpu.memory_space<hbm>>
      %dma_start3A_33 = tpu.memref_squeeze %dma_start3A_32 : memref<1x128xi32, #tpu.memory_space<hbm>> -> memref<128xi32, #tpu.memory_space<hbm>>
      tpu.enqueue_dma source(%dma_start3A_33 : memref<128xi32, #tpu.memory_space<hbm>>) target(%arg12 : memref<128xi32, #tpu.memory_space<vmem>>) target_semaphore(%arg18 : memref<!tpu.dma_semaphore, #tpu.memory_space<semaphore_mem>>)
      %dma_start3A_34 = arith.constant 1 : i32
      %dma_start3A_35 = arith.constant 0 : i32
      %dma_start3A_36 = tpu.memref_slice %arg9[%dma_start3A_34, %dma_start3A_35] : memref<80x128xi32, #tpu.memory_space<vmem>> -> memref<1x128xi32, #tpu.memory_space<vmem>>
      %dma_start3A_37 = tpu.memref_squeeze %dma_start3A_36 : memref<1x128xi32, #tpu.memory_space<vmem>> -> memref<128xi32, #tpu.memory_space<vmem>>
      %dma_start3A_38 = arith.constant 0 : i32
      %dma_start3A_39 = arith.constant 0 : i32
      %dma_start3A_40 = tpu.memref_slice %arg4[%dma_start3A_38, %dma_start3A_39] : memref<10000x128xf32, #tpu.memory_space<hbm>> -> memref<10000x128xf32, #tpu.memory_space<hbm>>
      tpu.enqueue_indirect_dma source(%dma_start3A_40 : memref<10000x128xf32, #tpu.memory_space<hbm>>) target(%arg11 : memref<128x128xf32, #tpu.memory_space<vmem>>) offsets(%dma_start3A_37 : memref<128xi32, #tpu.memory_space<vmem>>) semaphore(%arg15 : memref<!tpu.dma_semaphore, #tpu.memory_space<semaphore_mem>>)
      %add3A_41 = arith.constant 1 : i32
      %add3A_42 = arith.addi %mul3A_2, %add3A_41 : i32
      %dma_start3A_43 = arith.constant 0 : i32
      %dma_start3A_44 = tpu.memref_slice %arg3[%add3A_42, %dma_start3A_43] : memref<1280x128xi32, #tpu.memory_space<hbm>> -> memref<1x128xi32, #tpu.memory_space<hbm>>
      %dma_start3A_45 = tpu.memref_squeeze %dma_start3A_44 : memref<1x128xi32, #tpu.memory_space<hbm>> -> memref<128xi32, #tpu.memory_space<hbm>>
      %dma_start3A_46 = arith.constant 0 : i32
      %dma_start3A_47 = tpu.memref_slice %arg3[%add3A_42, %dma_start3A_46] : memref<1280x128xi32, #tpu.memory_space<hbm>> -> memref<1x128xi32, #tpu.memory_space<hbm>>
      %dma_start3A_48 = tpu.memref_squeeze %dma_start3A_47 : memref<1x128xi32, #tpu.memory_space<hbm>> -> memref<128xi32, #tpu.memory_space<hbm>>
      tpu.enqueue_dma source(%dma_start3A_48 : memref<128xi32, #tpu.memory_space<hbm>>) target(%arg13 : memref<128xi32, #tpu.memory_space<vmem>>) target_semaphore(%arg19 : memref<!tpu.dma_semaphore, #tpu.memory_space<semaphore_mem>>)
      %scan3A = arith.constant 0 : i32
      %scan3A_49 = arith.constant 40 : i32
      %scan3A_50 = arith.addi %scan3A, %scan3A_49 : i32
      %scan3A_51 = arith.constant 1 : i32
      scf.for %scan3A_58 = %scan3A to %scan3A_50 step %scan3A_51  : i32 {
        %mul3A_59 = arith.constant 2 : i32
        %mul3A_60 = arith.muli %scan3A_58, %mul3A_59 : i32
        %add3A_61 = arith.constant 0 : i32
        %add3A_62 = arith.addi %add3A_61, %mul3A_60 : i32
        %add3A_63 = arith.constant 0 : i32
        %add3A_64 = arith.addi %add3A_62, %add3A_63 : i32
        %dma_wait3A_65 = arith.constant 0 : i32
        %dma_wait3A_66 = arith.constant 0 : i32
        %dma_wait3A_67 = tpu.memref_slice %arg9[%dma_wait3A_65, %dma_wait3A_66] : memref<80x128xi32, #tpu.memory_space<vmem>> -> memref<1x128xi32, #tpu.memory_space<vmem>>
        %dma_wait3A_68 = tpu.memref_squeeze %dma_wait3A_67 : memref<1x128xi32, #tpu.memory_space<vmem>> -> memref<128xi32, #tpu.memory_space<vmem>>
        %dma_wait3A_69 = arith.constant 0 : i32
        %dma_wait3A_70 = arith.constant 0 : i32
        %dma_wait3A_71 = tpu.memref_slice %arg4[%dma_wait3A_69, %dma_wait3A_70] : memref<10000x128xf32, #tpu.memory_space<hbm>> -> memref<10000x128xf32, #tpu.memory_space<hbm>>
        tpu.wait_indirect_dma semaphore(%arg14 : memref<!tpu.dma_semaphore, #tpu.memory_space<semaphore_mem>>) src(%dma_wait3A_71 : memref<10000x128xf32, #tpu.memory_space<hbm>>) dst(%arg10 : memref<128x128xf32, #tpu.memory_space<vmem>>)
        %dma_wait3A_72 = arith.constant 0 : i32
        %dma_wait3A_73 = tpu.memref_slice %arg3[%mul3A_2, %dma_wait3A_72] : memref<1280x128xi32, #tpu.memory_space<hbm>> -> memref<1x128xi32, #tpu.memory_space<hbm>>
        %dma_wait3A_74 = tpu.memref_squeeze %dma_wait3A_73 : memref<1x128xi32, #tpu.memory_space<hbm>> -> memref<128xi32, #tpu.memory_space<hbm>>
        %dma_wait3A_75 = arith.constant 0 : i32
        %dma_wait3A_76 = tpu.memref_slice %arg3[%mul3A_2, %dma_wait3A_75] : memref<1280x128xi32, #tpu.memory_space<hbm>> -> memref<1x128xi32, #tpu.memory_space<hbm>>
        %dma_wait3A_77 = tpu.memref_squeeze %dma_wait3A_76 : memref<1x128xi32, #tpu.memory_space<hbm>> -> memref<128xi32, #tpu.memory_space<hbm>>
        tpu.wait_dma2 semaphore(%arg18 : memref<!tpu.dma_semaphore, #tpu.memory_space<semaphore_mem>>) src(%dma_wait3A_77 : memref<128xi32, #tpu.memory_space<hbm>>) dst(%arg12 : memref<128xi32, #tpu.memory_space<vmem>>)
        %dma_start3A_78 = arith.constant 0 : i32
        %dma_start3A_79 = arith.constant 0 : i32
        %dma_start3A_80 = tpu.memref_slice %arg20[%dma_start3A_78, %dma_start3A_79] : memref<10112x128xf32, #tpu.memory_space<vmem_shared>> -> memref<10112x128xf32, #tpu.memory_space<vmem_shared>>
        tpu.enqueue_indirect_dma source(%arg10 : memref<128x128xf32, #tpu.memory_space<vmem>>) target(%dma_start3A_80 : memref<10112x128xf32, #tpu.memory_space<vmem_shared>>) offsets(%arg12 : memref<128xi32, #tpu.memory_space<vmem>>) semaphore(%arg16 : memref<!tpu.dma_semaphore, #tpu.memory_space<semaphore_mem>>) {add = true}
        %add3A_81 = arith.constant 2 : i32
        %add3A_82 = arith.addi %add3A_64, %add3A_81 : i32
        %lt3A = arith.constant 80 : i32
        %lt3A_83 = arith.cmpi slt, %add3A_82, %lt3A : i32
        %convert_element_type3A_84 = arith.extui %lt3A_83 : i1 to i32
        %cond3A_85 = arith.constant 0 : i32
        %cond3A_86 = arith.cmpi ne, %convert_element_type3A_84, %cond3A_85 : i32
        scf.if %cond3A_86 {
          %dma_wait3A_112 = arith.constant 0 : i32
          %dma_wait3A_113 = arith.constant 0 : i32
          %dma_wait3A_114 = tpu.memref_slice %arg20[%dma_wait3A_112, %dma_wait3A_113] : memref<10112x128xf32, #tpu.memory_space<vmem_shared>> -> memref<10112x128xf32, #tpu.memory_space<vmem_shared>>
          tpu.wait_indirect_dma semaphore(%arg16 : memref<!tpu.dma_semaphore, #tpu.memory_space<semaphore_mem>>) src(%arg10 : memref<128x128xf32, #tpu.memory_space<vmem>>) dst(%dma_wait3A_114 : memref<10112x128xf32, #tpu.memory_space<vmem_shared>>)
          %add3A_115 = arith.constant 2 : i32
          %add3A_116 = arith.addi %add3A_64, %add3A_115 : i32
          %dma_start3A_117 = arith.constant 0 : i32
          %dma_start3A_118 = tpu.memref_slice %arg9[%add3A_116, %dma_start3A_117] : memref<80x128xi32, #tpu.memory_space<vmem>> -> memref<1x128xi32, #tpu.memory_space<vmem>>
          %dma_start3A_119 = tpu.memref_squeeze %dma_start3A_118 : memref<1x128xi32, #tpu.memory_space<vmem>> -> memref<128xi32, #tpu.memory_space<vmem>>
          %dma_start3A_120 = arith.constant 0 : i32
          %dma_start3A_121 = arith.constant 0 : i32
          %dma_start3A_122 = tpu.memref_slice %arg4[%dma_start3A_120, %dma_start3A_121] : memref<10000x128xf32, #tpu.memory_space<hbm>> -> memref<10000x128xf32, #tpu.memory_space<hbm>>
          tpu.enqueue_indirect_dma source(%dma_start3A_122 : memref<10000x128xf32, #tpu.memory_space<hbm>>) target(%arg10 : memref<128x128xf32, #tpu.memory_space<vmem>>) offsets(%dma_start3A_119 : memref<128xi32, #tpu.memory_space<vmem>>) semaphore(%arg14 : memref<!tpu.dma_semaphore, #tpu.memory_space<semaphore_mem>>)
          %add3A_123 = arith.constant 2 : i32
          %add3A_124 = arith.addi %add3A_64, %add3A_123 : i32
          %add3A_125 = arith.addi %mul3A_2, %add3A_124 : i32
          %dma_start3A_126 = arith.constant 0 : i32
          %dma_start3A_127 = tpu.memref_slice %arg3[%add3A_125, %dma_start3A_126] : memref<1280x128xi32, #tpu.memory_space<hbm>> -> memref<1x128xi32, #tpu.memory_space<hbm>>
          %dma_start3A_128 = tpu.memref_squeeze %dma_start3A_127 : memref<1x128xi32, #tpu.memory_space<hbm>> -> memref<128xi32, #tpu.memory_space<hbm>>
          %dma_start3A_129 = arith.constant 0 : i32
          %dma_start3A_130 = tpu.memref_slice %arg3[%add3A_125, %dma_start3A_129] : memref<1280x128xi32, #tpu.memory_space<hbm>> -> memref<1x128xi32, #tpu.memory_space<hbm>>
          %dma_start3A_131 = tpu.memref_squeeze %dma_start3A_130 : memref<1x128xi32, #tpu.memory_space<hbm>> -> memref<128xi32, #tpu.memory_space<hbm>>
          tpu.enqueue_dma source(%dma_start3A_131 : memref<128xi32, #tpu.memory_space<hbm>>) target(%arg12 : memref<128xi32, #tpu.memory_space<vmem>>) target_semaphore(%arg18 : memref<!tpu.dma_semaphore, #tpu.memory_space<semaphore_mem>>)
        } else {
        }
        %add3A_87 = arith.constant 1 : i32
        %add3A_88 = arith.addi %add3A_62, %add3A_87 : i32
        %dma_wait3A_89 = arith.constant 0 : i32
        %dma_wait3A_90 = arith.constant 0 : i32
        %dma_wait3A_91 = tpu.memref_slice %arg9[%dma_wait3A_89, %dma_wait3A_90] : memref<80x128xi32, #tpu.memory_space<vmem>> -> memref<1x128xi32, #tpu.memory_space<vmem>>
        %dma_wait3A_92 = tpu.memref_squeeze %dma_wait3A_91 : memref<1x128xi32, #tpu.memory_space<vmem>> -> memref<128xi32, #tpu.memory_space<vmem>>
        %dma_wait3A_93 = arith.constant 0 : i32
        %dma_wait3A_94 = arith.constant 0 : i32
        %dma_wait3A_95 = tpu.memref_slice %arg4[%dma_wait3A_93, %dma_wait3A_94] : memref<10000x128xf32, #tpu.memory_space<hbm>> -> memref<10000x128xf32, #tpu.memory_space<hbm>>
        tpu.wait_indirect_dma semaphore(%arg15 : memref<!tpu.dma_semaphore, #tpu.memory_space<semaphore_mem>>) src(%dma_wait3A_95 : memref<10000x128xf32, #tpu.memory_space<hbm>>) dst(%arg11 : memref<128x128xf32, #tpu.memory_space<vmem>>)
        %dma_wait3A_96 = arith.constant 0 : i32
        %dma_wait3A_97 = tpu.memref_slice %arg3[%mul3A_2, %dma_wait3A_96] : memref<1280x128xi32, #tpu.memory_space<hbm>> -> memref<1x128xi32, #tpu.memory_space<hbm>>
        %dma_wait3A_98 = tpu.memref_squeeze %dma_wait3A_97 : memref<1x128xi32, #tpu.memory_space<hbm>> -> memref<128xi32, #tpu.memory_space<hbm>>
        %dma_wait3A_99 = arith.constant 0 : i32
        %dma_wait3A_100 = tpu.memref_slice %arg3[%mul3A_2, %dma_wait3A_99] : memref<1280x128xi32, #tpu.memory_space<hbm>> -> memref<1x128xi32, #tpu.memory_space<hbm>>
        %dma_wait3A_101 = tpu.memref_squeeze %dma_wait3A_100 : memref<1x128xi32, #tpu.memory_space<hbm>> -> memref<128xi32, #tpu.memory_space<hbm>>
        tpu.wait_dma2 semaphore(%arg19 : memref<!tpu.dma_semaphore, #tpu.memory_space<semaphore_mem>>) src(%dma_wait3A_101 : memref<128xi32, #tpu.memory_space<hbm>>) dst(%arg13 : memref<128xi32, #tpu.memory_space<vmem>>)
        %dma_start3A_102 = arith.constant 0 : i32
        %dma_start3A_103 = arith.constant 0 : i32
        %dma_start3A_104 = tpu.memref_slice %arg20[%dma_start3A_102, %dma_start3A_103] : memref<10112x128xf32, #tpu.memory_space<vmem_shared>> -> memref<10112x128xf32, #tpu.memory_space<vmem_shared>>
        tpu.enqueue_indirect_dma source(%arg11 : memref<128x128xf32, #tpu.memory_space<vmem>>) target(%dma_start3A_104 : memref<10112x128xf32, #tpu.memory_space<vmem_shared>>) offsets(%arg13 : memref<128xi32, #tpu.memory_space<vmem>>) semaphore(%arg17 : memref<!tpu.dma_semaphore, #tpu.memory_space<semaphore_mem>>) {add = true}
        %add3A_105 = arith.constant 2 : i32
        %add3A_106 = arith.addi %add3A_88, %add3A_105 : i32
        %lt3A_107 = arith.constant 80 : i32
        %lt3A_108 = arith.cmpi slt, %add3A_106, %lt3A_107 : i32
        %convert_element_type3A_109 = arith.extui %lt3A_108 : i1 to i32
        %cond3A_110 = arith.constant 0 : i32
        %cond3A_111 = arith.cmpi ne, %convert_element_type3A_109, %cond3A_110 : i32
        scf.if %cond3A_111 {
          %dma_wait3A_112 = arith.constant 0 : i32
          %dma_wait3A_113 = arith.constant 0 : i32
          %dma_wait3A_114 = tpu.memref_slice %arg20[%dma_wait3A_112, %dma_wait3A_113] : memref<10112x128xf32, #tpu.memory_space<vmem_shared>> -> memref<10112x128xf32, #tpu.memory_space<vmem_shared>>
          tpu.wait_indirect_dma semaphore(%arg17 : memref<!tpu.dma_semaphore, #tpu.memory_space<semaphore_mem>>) src(%arg11 : memref<128x128xf32, #tpu.memory_space<vmem>>) dst(%dma_wait3A_114 : memref<10112x128xf32, #tpu.memory_space<vmem_shared>>)
          %add3A_115 = arith.constant 2 : i32
          %add3A_116 = arith.addi %add3A_88, %add3A_115 : i32
          %dma_start3A_117 = arith.constant 0 : i32
          %dma_start3A_118 = tpu.memref_slice %arg9[%add3A_116, %dma_start3A_117] : memref<80x128xi32, #tpu.memory_space<vmem>> -> memref<1x128xi32, #tpu.memory_space<vmem>>
          %dma_start3A_119 = tpu.memref_squeeze %dma_start3A_118 : memref<1x128xi32, #tpu.memory_space<vmem>> -> memref<128xi32, #tpu.memory_space<vmem>>
          %dma_start3A_120 = arith.constant 0 : i32
          %dma_start3A_121 = arith.constant 0 : i32
          %dma_start3A_122 = tpu.memref_slice %arg4[%dma_start3A_120, %dma_start3A_121] : memref<10000x128xf32, #tpu.memory_space<hbm>> -> memref<10000x128xf32, #tpu.memory_space<hbm>>
          tpu.enqueue_indirect_dma source(%dma_start3A_122 : memref<10000x128xf32, #tpu.memory_space<hbm>>) target(%arg11 : memref<128x128xf32, #tpu.memory_space<vmem>>) offsets(%dma_start3A_119 : memref<128xi32, #tpu.memory_space<vmem>>) semaphore(%arg15 : memref<!tpu.dma_semaphore, #tpu.memory_space<semaphore_mem>>)
          %add3A_123 = arith.constant 2 : i32
          %add3A_124 = arith.addi %add3A_88, %add3A_123 : i32
          %add3A_125 = arith.addi %mul3A_2, %add3A_124 : i32
          %dma_start3A_126 = arith.constant 0 : i32
          %dma_start3A_127 = tpu.memref_slice %arg3[%add3A_125, %dma_start3A_126] : memref<1280x128xi32, #tpu.memory_space<hbm>> -> memref<1x128xi32, #tpu.memory_space<hbm>>
          %dma_start3A_128 = tpu.memref_squeeze %dma_start3A_127 : memref<1x128xi32, #tpu.memory_space<hbm>> -> memref<128xi32, #tpu.memory_space<hbm>>
          %dma_start3A_129 = arith.constant 0 : i32
          %dma_start3A_130 = tpu.memref_slice %arg3[%add3A_125, %dma_start3A_129] : memref<1280x128xi32, #tpu.memory_space<hbm>> -> memref<1x128xi32, #tpu.memory_space<hbm>>
          %dma_start3A_131 = tpu.memref_squeeze %dma_start3A_130 : memref<1x128xi32, #tpu.memory_space<hbm>> -> memref<128xi32, #tpu.memory_space<hbm>>
          tpu.enqueue_dma source(%dma_start3A_131 : memref<128xi32, #tpu.memory_space<hbm>>) target(%arg13 : memref<128xi32, #tpu.memory_space<vmem>>) target_semaphore(%arg19 : memref<!tpu.dma_semaphore, #tpu.memory_space<semaphore_mem>>)
        } else {
        }
      }
      %scan3A_52 = arith.constant 40 : i32
      %dma_wait3A = arith.constant 0 : i32
      %dma_wait3A_53 = arith.constant 0 : i32
      %dma_wait3A_54 = tpu.memref_slice %arg20[%dma_wait3A, %dma_wait3A_53] : memref<10112x128xf32, #tpu.memory_space<vmem_shared>> -> memref<10112x128xf32, #tpu.memory_space<vmem_shared>>
      tpu.wait_indirect_dma semaphore(%arg16 : memref<!tpu.dma_semaphore, #tpu.memory_space<semaphore_mem>>) src(%arg10 : memref<128x128xf32, #tpu.memory_space<vmem>>) dst(%dma_wait3A_54 : memref<10112x128xf32, #tpu.memory_space<vmem_shared>>)
      %dma_wait3A_55 = arith.constant 0 : i32
      %dma_wait3A_56 = arith.constant 0 : i32
      %dma_wait3A_57 = tpu.memref_slice %arg20[%dma_wait3A_55, %dma_wait3A_56] : memref<10112x128xf32, #tpu.memory_space<vmem_shared>> -> memref<10112x128xf32, #tpu.memory_space<vmem_shared>>
      tpu.wait_indirect_dma semaphore(%arg17 : memref<!tpu.dma_semaphore, #tpu.memory_space<semaphore_mem>>) src(%arg11 : memref<128x128xf32, #tpu.memory_space<vmem>>) dst(%dma_wait3A_57 : memref<10112x128xf32, #tpu.memory_space<vmem_shared>>)
    } else {
    }
    %eq3A_5 = arith.constant 1 : i32
    %eq3A_6 = arith.cmpi eq, %arg0, %eq3A_5 : i32
    %convert_element_type3A_7 = arith.extui %eq3A_6 : i1 to i32
    %cond3A_8 = arith.constant 0 : i32
    %cond3A_9 = arith.cmpi ne, %convert_element_type3A_7, %cond3A_8 : i32
    scf.if %cond3A_9 {
      %dma_start3A = arith.constant 0 : i32
      %dma_start3A_21 = arith.constant 0 : i32
      %dma_start3A_22 = tpu.memref_slice %arg9[%dma_start3A, %dma_start3A_21] : memref<80x128xi32, #tpu.memory_space<vmem>> -> memref<1x128xi32, #tpu.memory_space<vmem>>
      %dma_start3A_23 = tpu.memref_squeeze %dma_start3A_22 : memref<1x128xi32, #tpu.memory_space<vmem>> -> memref<128xi32, #tpu.memory_space<vmem>>
      %dma_start3A_24 = arith.constant 0 : i32
      %dma_start3A_25 = arith.constant 0 : i32
      %dma_start3A_26 = tpu.memref_slice %arg5[%dma_start3A_24, %dma_start3A_25] : memref<10000x128xf32, #tpu.memory_space<hbm>> -> memref<10000x128xf32, #tpu.memory_space<hbm>>
      tpu.enqueue_indirect_dma source(%dma_start3A_26 : memref<10000x128xf32, #tpu.memory_space<hbm>>) target(%arg10 : memref<128x128xf32, #tpu.memory_space<vmem>>) offsets(%dma_start3A_23 : memref<128xi32, #tpu.memory_space<vmem>>) semaphore(%arg14 : memref<!tpu.dma_semaphore, #tpu.memory_space<semaphore_mem>>)
      %add3A = arith.constant 0 : i32
      %add3A_27 = arith.addi %mul3A_2, %add3A : i32
      %dma_start3A_28 = arith.constant 0 : i32
      %dma_start3A_29 = tpu.memref_slice %arg3[%add3A_27, %dma_start3A_28] : memref<1280x128xi32, #tpu.memory_space<hbm>> -> memref<1x128xi32, #tpu.memory_space<hbm>>
      %dma_start3A_30 = tpu.memref_squeeze %dma_start3A_29 : memref<1x128xi32, #tpu.memory_space<hbm>> -> memref<128xi32, #tpu.memory_space<hbm>>
      %dma_start3A_31 = arith.constant 0 : i32
      %dma_start3A_32 = tpu.memref_slice %arg3[%add3A_27, %dma_start3A_31] : memref<1280x128xi32, #tpu.memory_space<hbm>> -> memref<1x128xi32, #tpu.memory_space<hbm>>
      %dma_start3A_33 = tpu.memref_squeeze %dma_start3A_32 : memref<1x128xi32, #tpu.memory_space<hbm>> -> memref<128xi32, #tpu.memory_space<hbm>>
      tpu.enqueue_dma source(%dma_start3A_33 : memref<128xi32, #tpu.memory_space<hbm>>) target(%arg12 : memref<128xi32, #tpu.memory_space<vmem>>) target_semaphore(%arg18 : memref<!tpu.dma_semaphore, #tpu.memory_space<semaphore_mem>>)
      %dma_start3A_34 = arith.constant 1 : i32
      %dma_start3A_35 = arith.constant 0 : i32
      %dma_start3A_36 = tpu.memref_slice %arg9[%dma_start3A_34, %dma_start3A_35] : memref<80x128xi32, #tpu.memory_space<vmem>> -> memref<1x128xi32, #tpu.memory_space<vmem>>
      %dma_start3A_37 = tpu.memref_squeeze %dma_start3A_36 : memref<1x128xi32, #tpu.memory_space<vmem>> -> memref<128xi32, #tpu.memory_space<vmem>>
      %dma_start3A_38 = arith.constant 0 : i32
      %dma_start3A_39 = arith.constant 0 : i32
      %dma_start3A_40 = tpu.memref_slice %arg5[%dma_start3A_38, %dma_start3A_39] : memref<10000x128xf32, #tpu.memory_space<hbm>> -> memref<10000x128xf32, #tpu.memory_space<hbm>>
      tpu.enqueue_indirect_dma source(%dma_start3A_40 : memref<10000x128xf32, #tpu.memory_space<hbm>>) target(%arg11 : memref<128x128xf32, #tpu.memory_space<vmem>>) offsets(%dma_start3A_37 : memref<128xi32, #tpu.memory_space<vmem>>) semaphore(%arg15 : memref<!tpu.dma_semaphore, #tpu.memory_space<semaphore_mem>>)
      %add3A_41 = arith.constant 1 : i32
      %add3A_42 = arith.addi %mul3A_2, %add3A_41 : i32
      %dma_start3A_43 = arith.constant 0 : i32
      %dma_start3A_44 = tpu.memref_slice %arg3[%add3A_42, %dma_start3A_43] : memref<1280x128xi32, #tpu.memory_space<hbm>> -> memref<1x128xi32, #tpu.memory_space<hbm>>
      %dma_start3A_45 = tpu.memref_squeeze %dma_start3A_44 : memref<1x128xi32, #tpu.memory_space<hbm>> -> memref<128xi32, #tpu.memory_space<hbm>>
      %dma_start3A_46 = arith.constant 0 : i32
      %dma_start3A_47 = tpu.memref_slice %arg3[%add3A_42, %dma_start3A_46] : memref<1280x128xi32, #tpu.memory_space<hbm>> -> memref<1x128xi32, #tpu.memory_space<hbm>>
      %dma_start3A_48 = tpu.memref_squeeze %dma_start3A_47 : memref<1x128xi32, #tpu.memory_space<hbm>> -> memref<128xi32, #tpu.memory_space<hbm>>
      tpu.enqueue_dma source(%dma_start3A_48 : memref<128xi32, #tpu.memory_space<hbm>>) target(%arg13 : memref<128xi32, #tpu.memory_space<vmem>>) target_semaphore(%arg19 : memref<!tpu.dma_semaphore, #tpu.memory_space<semaphore_mem>>)
      %scan3A = arith.constant 0 : i32
      %scan3A_49 = arith.constant 40 : i32
      %scan3A_50 = arith.addi %scan3A, %scan3A_49 : i32
      %scan3A_51 = arith.constant 1 : i32
      scf.for %scan3A_58 = %scan3A to %scan3A_50 step %scan3A_51  : i32 {
        %mul3A_59 = arith.constant 2 : i32
        %mul3A_60 = arith.muli %scan3A_58, %mul3A_59 : i32
        %add3A_61 = arith.constant 0 : i32
        %add3A_62 = arith.addi %add3A_61, %mul3A_60 : i32
        %add3A_63 = arith.constant 0 : i32
        %add3A_64 = arith.addi %add3A_62, %add3A_63 : i32
        %dma_wait3A_65 = arith.constant 0 : i32
        %dma_wait3A_66 = arith.constant 0 : i32
        %dma_wait3A_67 = tpu.memref_slice %arg9[%dma_wait3A_65, %dma_wait3A_66] : memref<80x128xi32, #tpu.memory_space<vmem>> -> memref<1x128xi32, #tpu.memory_space<vmem>>
        %dma_wait3A_68 = tpu.memref_squeeze %dma_wait3A_67 : memref<1x128xi32, #tpu.memory_space<vmem>> -> memref<128xi32, #tpu.memory_space<vmem>>
        %dma_wait3A_69 = arith.constant 0 : i32
        %dma_wait3A_70 = arith.constant 0 : i32
        %dma_wait3A_71 = tpu.memref_slice %arg5[%dma_wait3A_69, %dma_wait3A_70] : memref<10000x128xf32, #tpu.memory_space<hbm>> -> memref<10000x128xf32, #tpu.memory_space<hbm>>
        tpu.wait_indirect_dma semaphore(%arg14 : memref<!tpu.dma_semaphore, #tpu.memory_space<semaphore_mem>>) src(%dma_wait3A_71 : memref<10000x128xf32, #tpu.memory_space<hbm>>) dst(%arg10 : memref<128x128xf32, #tpu.memory_space<vmem>>)
        %dma_wait3A_72 = arith.constant 0 : i32
        %dma_wait3A_73 = tpu.memref_slice %arg3[%mul3A_2, %dma_wait3A_72] : memref<1280x128xi32, #tpu.memory_space<hbm>> -> memref<1x128xi32, #tpu.memory_space<hbm>>
        %dma_wait3A_74 = tpu.memref_squeeze %dma_wait3A_73 : memref<1x128xi32, #tpu.memory_space<hbm>> -> memref<128xi32, #tpu.memory_space<hbm>>
        %dma_wait3A_75 = arith.constant 0 : i32
        %dma_wait3A_76 = tpu.memref_slice %arg3[%mul3A_2, %dma_wait3A_75] : memref<1280x128xi32, #tpu.memory_space<hbm>> -> memref<1x128xi32, #tpu.memory_space<hbm>>
        %dma_wait3A_77 = tpu.memref_squeeze %dma_wait3A_76 : memref<1x128xi32, #tpu.memory_space<hbm>> -> memref<128xi32, #tpu.memory_space<hbm>>
        tpu.wait_dma2 semaphore(%arg18 : memref<!tpu.dma_semaphore, #tpu.memory_space<semaphore_mem>>) src(%dma_wait3A_77 : memref<128xi32, #tpu.memory_space<hbm>>) dst(%arg12 : memref<128xi32, #tpu.memory_space<vmem>>)
        %dma_start3A_78 = arith.constant 0 : i32
        %dma_start3A_79 = arith.constant 0 : i32
        %dma_start3A_80 = tpu.memref_slice %arg20[%dma_start3A_78, %dma_start3A_79] : memref<10112x128xf32, #tpu.memory_space<vmem_shared>> -> memref<10112x128xf32, #tpu.memory_space<vmem_shared>>
        tpu.enqueue_indirect_dma source(%arg10 : memref<128x128xf32, #tpu.memory_space<vmem>>) target(%dma_start3A_80 : memref<10112x128xf32, #tpu.memory_space<vmem_shared>>) offsets(%arg12 : memref<128xi32, #tpu.memory_space<vmem>>) semaphore(%arg16 : memref<!tpu.dma_semaphore, #tpu.memory_space<semaphore_mem>>) {add = true}
        %add3A_81 = arith.constant 2 : i32
        %add3A_82 = arith.addi %add3A_64, %add3A_81 : i32
        %lt3A = arith.constant 80 : i32
        %lt3A_83 = arith.cmpi slt, %add3A_82, %lt3A : i32
        %convert_element_type3A_84 = arith.extui %lt3A_83 : i1 to i32
        %cond3A_85 = arith.constant 0 : i32
        %cond3A_86 = arith.cmpi ne, %convert_element_type3A_84, %cond3A_85 : i32
        scf.if %cond3A_86 {
          %dma_wait3A_112 = arith.constant 0 : i32
          %dma_wait3A_113 = arith.constant 0 : i32
          %dma_wait3A_114 = tpu.memref_slice %arg20[%dma_wait3A_112, %dma_wait3A_113] : memref<10112x128xf32, #tpu.memory_space<vmem_shared>> -> memref<10112x128xf32, #tpu.memory_space<vmem_shared>>
          tpu.wait_indirect_dma semaphore(%arg16 : memref<!tpu.dma_semaphore, #tpu.memory_space<semaphore_mem>>) src(%arg10 : memref<128x128xf32, #tpu.memory_space<vmem>>) dst(%dma_wait3A_114 : memref<10112x128xf32, #tpu.memory_space<vmem_shared>>)
          %add3A_115 = arith.constant 2 : i32
          %add3A_116 = arith.addi %add3A_64, %add3A_115 : i32
          %dma_start3A_117 = arith.constant 0 : i32
          %dma_start3A_118 = tpu.memref_slice %arg9[%add3A_116, %dma_start3A_117] : memref<80x128xi32, #tpu.memory_space<vmem>> -> memref<1x128xi32, #tpu.memory_space<vmem>>
          %dma_start3A_119 = tpu.memref_squeeze %dma_start3A_118 : memref<1x128xi32, #tpu.memory_space<vmem>> -> memref<128xi32, #tpu.memory_space<vmem>>
          %dma_start3A_120 = arith.constant 0 : i32
          %dma_start3A_121 = arith.constant 0 : i32
          %dma_start3A_122 = tpu.memref_slice %arg5[%dma_start3A_120, %dma_start3A_121] : memref<10000x128xf32, #tpu.memory_space<hbm>> -> memref<10000x128xf32, #tpu.memory_space<hbm>>
          tpu.enqueue_indirect_dma source(%dma_start3A_122 : memref<10000x128xf32, #tpu.memory_space<hbm>>) target(%arg10 : memref<128x128xf32, #tpu.memory_space<vmem>>) offsets(%dma_start3A_119 : memref<128xi32, #tpu.memory_space<vmem>>) semaphore(%arg14 : memref<!tpu.dma_semaphore, #tpu.memory_space<semaphore_mem>>)
          %add3A_123 = arith.constant 2 : i32
          %add3A_124 = arith.addi %add3A_64, %add3A_123 : i32
          %add3A_125 = arith.addi %mul3A_2, %add3A_124 : i32
          %dma_start3A_126 = arith.constant 0 : i32
          %dma_start3A_127 = tpu.memref_slice %arg3[%add3A_125, %dma_start3A_126] : memref<1280x128xi32, #tpu.memory_space<hbm>> -> memref<1x128xi32, #tpu.memory_space<hbm>>
          %dma_start3A_128 = tpu.memref_squeeze %dma_start3A_127 : memref<1x128xi32, #tpu.memory_space<hbm>> -> memref<128xi32, #tpu.memory_space<hbm>>
          %dma_start3A_129 = arith.constant 0 : i32
          %dma_start3A_130 = tpu.memref_slice %arg3[%add3A_125, %dma_start3A_129] : memref<1280x128xi32, #tpu.memory_space<hbm>> -> memref<1x128xi32, #tpu.memory_space<hbm>>
          %dma_start3A_131 = tpu.memref_squeeze %dma_start3A_130 : memref<1x128xi32, #tpu.memory_space<hbm>> -> memref<128xi32, #tpu.memory_space<hbm>>
          tpu.enqueue_dma source(%dma_start3A_131 : memref<128xi32, #tpu.memory_space<hbm>>) target(%arg12 : memref<128xi32, #tpu.memory_space<vmem>>) target_semaphore(%arg18 : memref<!tpu.dma_semaphore, #tpu.memory_space<semaphore_mem>>)
        } else {
        }
        %add3A_87 = arith.constant 1 : i32
        %add3A_88 = arith.addi %add3A_62, %add3A_87 : i32
        %dma_wait3A_89 = arith.constant 0 : i32
        %dma_wait3A_90 = arith.constant 0 : i32
        %dma_wait3A_91 = tpu.memref_slice %arg9[%dma_wait3A_89, %dma_wait3A_90] : memref<80x128xi32, #tpu.memory_space<vmem>> -> memref<1x128xi32, #tpu.memory_space<vmem>>
        %dma_wait3A_92 = tpu.memref_squeeze %dma_wait3A_91 : memref<1x128xi32, #tpu.memory_space<vmem>> -> memref<128xi32, #tpu.memory_space<vmem>>
        %dma_wait3A_93 = arith.constant 0 : i32
        %dma_wait3A_94 = arith.constant 0 : i32
        %dma_wait3A_95 = tpu.memref_slice %arg5[%dma_wait3A_93, %dma_wait3A_94] : memref<10000x128xf32, #tpu.memory_space<hbm>> -> memref<10000x128xf32, #tpu.memory_space<hbm>>
        tpu.wait_indirect_dma semaphore(%arg15 : memref<!tpu.dma_semaphore, #tpu.memory_space<semaphore_mem>>) src(%dma_wait3A_95 : memref<10000x128xf32, #tpu.memory_space<hbm>>) dst(%arg11 : memref<128x128xf32, #tpu.memory_space<vmem>>)
        %dma_wait3A_96 = arith.constant 0 : i32
        %dma_wait3A_97 = tpu.memref_slice %arg3[%mul3A_2, %dma_wait3A_96] : memref<1280x128xi32, #tpu.memory_space<hbm>> -> memref<1x128xi32, #tpu.memory_space<hbm>>
        %dma_wait3A_98 = tpu.memref_squeeze %dma_wait3A_97 : memref<1x128xi32, #tpu.memory_space<hbm>> -> memref<128xi32, #tpu.memory_space<hbm>>
        %dma_wait3A_99 = arith.constant 0 : i32
        %dma_wait3A_100 = tpu.memref_slice %arg3[%mul3A_2, %dma_wait3A_99] : memref<1280x128xi32, #tpu.memory_space<hbm>> -> memref<1x128xi32, #tpu.memory_space<hbm>>
        %dma_wait3A_101 = tpu.memref_squeeze %dma_wait3A_100 : memref<1x128xi32, #tpu.memory_space<hbm>> -> memref<128xi32, #tpu.memory_space<hbm>>
        tpu.wait_dma2 semaphore(%arg19 : memref<!tpu.dma_semaphore, #tpu.memory_space<semaphore_mem>>) src(%dma_wait3A_101 : memref<128xi32, #tpu.memory_space<hbm>>) dst(%arg13 : memref<128xi32, #tpu.memory_space<vmem>>)
        %dma_start3A_102 = arith.constant 0 : i32
        %dma_start3A_103 = arith.constant 0 : i32
        %dma_start3A_104 = tpu.memref_slice %arg20[%dma_start3A_102, %dma_start3A_103] : memref<10112x128xf32, #tpu.memory_space<vmem_shared>> -> memref<10112x128xf32, #tpu.memory_space<vmem_shared>>
        tpu.enqueue_indirect_dma source(%arg11 : memref<128x128xf32, #tpu.memory_space<vmem>>) target(%dma_start3A_104 : memref<10112x128xf32, #tpu.memory_space<vmem_shared>>) offsets(%arg13 : memref<128xi32, #tpu.memory_space<vmem>>) semaphore(%arg17 : memref<!tpu.dma_semaphore, #tpu.memory_space<semaphore_mem>>) {add = true}
        %add3A_105 = arith.constant 2 : i32
        %add3A_106 = arith.addi %add3A_88, %add3A_105 : i32
        %lt3A_107 = arith.constant 80 : i32
        %lt3A_108 = arith.cmpi slt, %add3A_106, %lt3A_107 : i32
        %convert_element_type3A_109 = arith.extui %lt3A_108 : i1 to i32
        %cond3A_110 = arith.constant 0 : i32
        %cond3A_111 = arith.cmpi ne, %convert_element_type3A_109, %cond3A_110 : i32
        scf.if %cond3A_111 {
          %dma_wait3A_112 = arith.constant 0 : i32
          %dma_wait3A_113 = arith.constant 0 : i32
          %dma_wait3A_114 = tpu.memref_slice %arg20[%dma_wait3A_112, %dma_wait3A_113] : memref<10112x128xf32, #tpu.memory_space<vmem_shared>> -> memref<10112x128xf32, #tpu.memory_space<vmem_shared>>
          tpu.wait_indirect_dma semaphore(%arg17 : memref<!tpu.dma_semaphore, #tpu.memory_space<semaphore_mem>>) src(%arg11 : memref<128x128xf32, #tpu.memory_space<vmem>>) dst(%dma_wait3A_114 : memref<10112x128xf32, #tpu.memory_space<vmem_shared>>)
          %add3A_115 = arith.constant 2 : i32
          %add3A_116 = arith.addi %add3A_88, %add3A_115 : i32
          %dma_start3A_117 = arith.constant 0 : i32
          %dma_start3A_118 = tpu.memref_slice %arg9[%add3A_116, %dma_start3A_117] : memref<80x128xi32, #tpu.memory_space<vmem>> -> memref<1x128xi32, #tpu.memory_space<vmem>>
          %dma_start3A_119 = tpu.memref_squeeze %dma_start3A_118 : memref<1x128xi32, #tpu.memory_space<vmem>> -> memref<128xi32, #tpu.memory_space<vmem>>
          %dma_start3A_120 = arith.constant 0 : i32
          %dma_start3A_121 = arith.constant 0 : i32
          %dma_start3A_122 = tpu.memref_slice %arg5[%dma_start3A_120, %dma_start3A_121] : memref<10000x128xf32, #tpu.memory_space<hbm>> -> memref<10000x128xf32, #tpu.memory_space<hbm>>
          tpu.enqueue_indirect_dma source(%dma_start3A_122 : memref<10000x128xf32, #tpu.memory_space<hbm>>) target(%arg11 : memref<128x128xf32, #tpu.memory_space<vmem>>) offsets(%dma_start3A_119 : memref<128xi32, #tpu.memory_space<vmem>>) semaphore(%arg15 : memref<!tpu.dma_semaphore, #tpu.memory_space<semaphore_mem>>)
          %add3A_123 = arith.constant 2 : i32
          %add3A_124 = arith.addi %add3A_88, %add3A_123 : i32
          %add3A_125 = arith.addi %mul3A_2, %add3A_124 : i32
          %dma_start3A_126 = arith.constant 0 : i32
          %dma_start3A_127 = tpu.memref_slice %arg3[%add3A_125, %dma_start3A_126] : memref<1280x128xi32, #tpu.memory_space<hbm>> -> memref<1x128xi32, #tpu.memory_space<hbm>>
          %dma_start3A_128 = tpu.memref_squeeze %dma_start3A_127 : memref<1x128xi32, #tpu.memory_space<hbm>> -> memref<128xi32, #tpu.memory_space<hbm>>
          %dma_start3A_129 = arith.constant 0 : i32
          %dma_start3A_130 = tpu.memref_slice %arg3[%add3A_125, %dma_start3A_129] : memref<1280x128xi32, #tpu.memory_space<hbm>> -> memref<1x128xi32, #tpu.memory_space<hbm>>
          %dma_start3A_131 = tpu.memref_squeeze %dma_start3A_130 : memref<1x128xi32, #tpu.memory_space<hbm>> -> memref<128xi32, #tpu.memory_space<hbm>>
          tpu.enqueue_dma source(%dma_start3A_131 : memref<128xi32, #tpu.memory_space<hbm>>) target(%arg13 : memref<128xi32, #tpu.memory_space<vmem>>) target_semaphore(%arg19 : memref<!tpu.dma_semaphore, #tpu.memory_space<semaphore_mem>>)
        } else {
        }
      }
      %scan3A_52 = arith.constant 40 : i32
      %dma_wait3A = arith.constant 0 : i32
      %dma_wait3A_53 = arith.constant 0 : i32
      %dma_wait3A_54 = tpu.memref_slice %arg20[%dma_wait3A, %dma_wait3A_53] : memref<10112x128xf32, #tpu.memory_space<vmem_shared>> -> memref<10112x128xf32, #tpu.memory_space<vmem_shared>>
      tpu.wait_indirect_dma semaphore(%arg16 : memref<!tpu.dma_semaphore, #tpu.memory_space<semaphore_mem>>) src(%arg10 : memref<128x128xf32, #tpu.memory_space<vmem>>) dst(%dma_wait3A_54 : memref<10112x128xf32, #tpu.memory_space<vmem_shared>>)
      %dma_wait3A_55 = arith.constant 0 : i32
      %dma_wait3A_56 = arith.constant 0 : i32
      %dma_wait3A_57 = tpu.memref_slice %arg20[%dma_wait3A_55, %dma_wait3A_56] : memref<10112x128xf32, #tpu.memory_space<vmem_shared>> -> memref<10112x128xf32, #tpu.memory_space<vmem_shared>>
      tpu.wait_indirect_dma semaphore(%arg17 : memref<!tpu.dma_semaphore, #tpu.memory_space<semaphore_mem>>) src(%arg11 : memref<128x128xf32, #tpu.memory_space<vmem>>) dst(%dma_wait3A_57 : memref<10112x128xf32, #tpu.memory_space<vmem_shared>>)
    } else {
    }
    %barrier3A_10 = arith.constant 0 : index
    tpu.barrier barrier_id(%barrier3A_10)
    %eq3A_11 = arith.constant 0 : i32
    %eq3A_12 = arith.cmpi eq, %arg0, %eq3A_11 : i32
    %convert_element_type3A_13 = arith.extui %eq3A_12 : i1 to i32
    %cond3A_14 = arith.constant 0 : i32
    %cond3A_15 = arith.cmpi ne, %convert_element_type3A_13, %cond3A_14 : i32
    scf.if %cond3A_15 {
      "tpu.region"() ({
        %run_scoped3A = tpu.sem_alloc : memref<!tpu.dma_semaphore, #tpu.memory_space<semaphore_mem>>
        %dma_start3A = arith.constant 0 : i32
        %dma_start3A_21 = tpu.memref_slice %arg7[%mul3A_0, %dma_start3A] : memref<10112x128xf32, #tpu.memory_space<hbm>> -> memref<632x128xf32, #tpu.memory_space<hbm>>
        %dma_start3A_22 = arith.constant 0 : i32
        %dma_start3A_23 = tpu.memref_slice %arg20[%mul3A_0, %dma_start3A_22] : memref<10112x128xf32, #tpu.memory_space<vmem_shared>> -> memref<632x128xf32, #tpu.memory_space<vmem_shared>>
        tpu.enqueue_dma source(%dma_start3A_23 : memref<632x128xf32, #tpu.memory_space<vmem_shared>>) target(%dma_start3A_21 : memref<632x128xf32, #tpu.memory_space<hbm>>) target_semaphore(%run_scoped3A : memref<!tpu.dma_semaphore, #tpu.memory_space<semaphore_mem>>)
        %dma_wait3A = arith.constant 0 : i32
        %dma_wait3A_24 = tpu.memref_slice %arg7[%mul3A_0, %dma_wait3A] : memref<10112x128xf32, #tpu.memory_space<hbm>> -> memref<632x128xf32, #tpu.memory_space<hbm>>
        %dma_wait3A_25 = arith.constant 0 : i32
        %dma_wait3A_26 = tpu.memref_slice %arg20[%mul3A_0, %dma_wait3A_25] : memref<10112x128xf32, #tpu.memory_space<vmem_shared>> -> memref<632x128xf32, #tpu.memory_space<vmem_shared>>
        tpu.wait_dma2 semaphore(%run_scoped3A : memref<!tpu.dma_semaphore, #tpu.memory_space<semaphore_mem>>) src(%dma_wait3A_26 : memref<632x128xf32, #tpu.memory_space<vmem_shared>>) dst(%dma_wait3A_24 : memref<632x128xf32, #tpu.memory_space<hbm>>)
        tpu.yield
      }) : () -> ()
    } else {
    }
    %eq3A_16 = arith.constant 1 : i32
    %eq3A_17 = arith.cmpi eq, %arg0, %eq3A_16 : i32
    %convert_element_type3A_18 = arith.extui %eq3A_17 : i1 to i32
    %cond3A_19 = arith.constant 0 : i32
    %cond3A_20 = arith.cmpi ne, %convert_element_type3A_18, %cond3A_19 : i32
    scf.if %cond3A_20 {
      "tpu.region"() ({
        %run_scoped3A = tpu.sem_alloc : memref<!tpu.dma_semaphore, #tpu.memory_space<semaphore_mem>>
        %dma_start3A = arith.constant 0 : i32
        %dma_start3A_21 = tpu.memref_slice %arg8[%mul3A_0, %dma_start3A] : memref<10112x128xf32, #tpu.memory_space<hbm>> -> memref<632x128xf32, #tpu.memory_space<hbm>>
        %dma_start3A_22 = arith.constant 0 : i32
        %dma_start3A_23 = tpu.memref_slice %arg20[%mul3A_0, %dma_start3A_22] : memref<10112x128xf32, #tpu.memory_space<vmem_shared>> -> memref<632x128xf32, #tpu.memory_space<vmem_shared>>
        tpu.enqueue_dma source(%dma_start3A_23 : memref<632x128xf32, #tpu.memory_space<vmem_shared>>) target(%dma_start3A_21 : memref<632x128xf32, #tpu.memory_space<hbm>>) target_semaphore(%run_scoped3A : memref<!tpu.dma_semaphore, #tpu.memory_space<semaphore_mem>>)
        %dma_wait3A = arith.constant 0 : i32
        %dma_wait3A_24 = tpu.memref_slice %arg8[%mul3A_0, %dma_wait3A] : memref<10112x128xf32, #tpu.memory_space<hbm>> -> memref<632x128xf32, #tpu.memory_space<hbm>>
        %dma_wait3A_25 = arith.constant 0 : i32
        %dma_wait3A_26 = tpu.memref_slice %arg20[%mul3A_0, %dma_wait3A_25] : memref<10112x128xf32, #tpu.memory_space<vmem_shared>> -> memref<632x128xf32, #tpu.memory_space<vmem_shared>>
        tpu.wait_dma2 semaphore(%run_scoped3A : memref<!tpu.dma_semaphore, #tpu.memory_space<semaphore_mem>>) src(%dma_wait3A_26 : memref<632x128xf32, #tpu.memory_space<vmem_shared>>) dst(%dma_wait3A_24 : memref<632x128xf32, #tpu.memory_space<hbm>>)
        tpu.yield
      }) : () -> ()
    } else {
    }
    return
  }
}

#map = affine_map<(d0, d1) -> (0, 0)>
module attributes {stable_mosaic.version = 14 : i64} {
  func.func @run(%arg0: i32, %arg1: i32, %arg2: memref<1280x128xi32, #tpu.memory_space<hbm>>, %arg3: memref<128x128xf32, #tpu.memory_space<hbm>>, %arg4: memref<10112x128xf32, #tpu.memory_space<hbm>>, %arg5: memref<20224x128xf32, #tpu.memory_space<hbm>>, %arg6: memref<128x128xf32, #tpu.memory_space<vmem>>, %arg7: memref<40x128xi32, #tpu.memory_space<vmem>>, %arg8: memref<!tpu.dma_semaphore, #tpu.memory_space<semaphore_mem>>, %arg9: memref<10112x128xf32, #tpu.memory_space<vmem_shared>>) attributes {dimension_semantics = [#tpu.dimension_semantics<core_parallel>, #tpu.dimension_semantics<subcore_parallel>], iteration_bounds = array<i64: 2, 16>, scalar_prefetch = 0 : i64, scratch_operands = 4 : i64, tpu.core_type = #tpu.core_type<sc_vector_subcore>, window_params = [{transform_indices = #map}, {transform_indices = #map}, {transform_indices = #map}, {transform_indices = #map}]} {
    %mul3A = arith.constant 632 : i32
    %mul3A_0 = arith.muli %arg1, %mul3A : i32
    %mul3A_1 = arith.constant 16 : i32
    %mul3A_2 = arith.muli %arg0, %mul3A_1 : i32
    %add3A = arith.addi %mul3A_2, %arg1 : i32
    %mul3A_3 = arith.constant 40 : i32
    %mul3A_4 = arith.muli %add3A, %mul3A_3 : i32
    "tpu.region"() ({
      %run_scoped3A = tpu.sem_alloc : memref<!tpu.dma_semaphore, #tpu.memory_space<semaphore_mem>>
      %dma_start3A = arith.constant 0 : i32
      %dma_start3A_18 = tpu.memref_slice %arg2[%mul3A_4, %dma_start3A] : memref<1280x128xi32, #tpu.memory_space<hbm>> -> memref<40x128xi32, #tpu.memory_space<hbm>>
      %dma_start3A_19 = arith.constant 0 : i32
      %dma_start3A_20 = tpu.memref_slice %arg2[%mul3A_4, %dma_start3A_19] : memref<1280x128xi32, #tpu.memory_space<hbm>> -> memref<40x128xi32, #tpu.memory_space<hbm>>
      tpu.enqueue_dma source(%dma_start3A_20 : memref<40x128xi32, #tpu.memory_space<hbm>>) target(%arg7 : memref<40x128xi32, #tpu.memory_space<vmem>>) target_semaphore(%run_scoped3A : memref<!tpu.dma_semaphore, #tpu.memory_space<semaphore_mem>>)
      %dma_wait3A = arith.constant 0 : i32
      %dma_wait3A_21 = tpu.memref_slice %arg2[%mul3A_4, %dma_wait3A] : memref<1280x128xi32, #tpu.memory_space<hbm>> -> memref<40x128xi32, #tpu.memory_space<hbm>>
      %dma_wait3A_22 = arith.constant 0 : i32
      %dma_wait3A_23 = tpu.memref_slice %arg2[%mul3A_4, %dma_wait3A_22] : memref<1280x128xi32, #tpu.memory_space<hbm>> -> memref<40x128xi32, #tpu.memory_space<hbm>>
      tpu.wait_dma2 semaphore(%run_scoped3A : memref<!tpu.dma_semaphore, #tpu.memory_space<semaphore_mem>>) src(%dma_wait3A_23 : memref<40x128xi32, #tpu.memory_space<hbm>>) dst(%arg7 : memref<40x128xi32, #tpu.memory_space<vmem>>)
      tpu.yield
    }) : () -> ()
    "tpu.region"() ({
      %run_scoped3A = tpu.sem_alloc : memref<!tpu.dma_semaphore, #tpu.memory_space<semaphore_mem>>
      %dma_start3A = arith.constant 0 : i32
      %dma_start3A_18 = tpu.memref_slice %arg9[%mul3A_0, %dma_start3A] : memref<10112x128xf32, #tpu.memory_space<vmem_shared>> -> memref<632x128xf32, #tpu.memory_space<vmem_shared>>
      %dma_start3A_19 = arith.constant 0 : i32
      %dma_start3A_20 = tpu.memref_slice %arg4[%mul3A_0, %dma_start3A_19] : memref<10112x128xf32, #tpu.memory_space<hbm>> -> memref<632x128xf32, #tpu.memory_space<hbm>>
      tpu.enqueue_dma source(%dma_start3A_20 : memref<632x128xf32, #tpu.memory_space<hbm>>) target(%dma_start3A_18 : memref<632x128xf32, #tpu.memory_space<vmem_shared>>) target_semaphore(%run_scoped3A : memref<!tpu.dma_semaphore, #tpu.memory_space<semaphore_mem>>)
      %dma_wait3A = arith.constant 0 : i32
      %dma_wait3A_21 = tpu.memref_slice %arg9[%mul3A_0, %dma_wait3A] : memref<10112x128xf32, #tpu.memory_space<vmem_shared>> -> memref<632x128xf32, #tpu.memory_space<vmem_shared>>
      %dma_wait3A_22 = arith.constant 0 : i32
      %dma_wait3A_23 = tpu.memref_slice %arg4[%mul3A_0, %dma_wait3A_22] : memref<10112x128xf32, #tpu.memory_space<hbm>> -> memref<632x128xf32, #tpu.memory_space<hbm>>
      tpu.wait_dma2 semaphore(%run_scoped3A : memref<!tpu.dma_semaphore, #tpu.memory_space<semaphore_mem>>) src(%dma_wait3A_23 : memref<632x128xf32, #tpu.memory_space<hbm>>) dst(%dma_wait3A_21 : memref<632x128xf32, #tpu.memory_space<vmem_shared>>)
      tpu.yield
    }) : () -> ()
    "tpu.region"() ({
      %run_scoped3A = tpu.sem_alloc : memref<!tpu.dma_semaphore, #tpu.memory_space<semaphore_mem>>
      tpu.enqueue_dma source(%arg3 : memref<128x128xf32, #tpu.memory_space<hbm>>) target(%arg6 : memref<128x128xf32, #tpu.memory_space<vmem>>) target_semaphore(%run_scoped3A : memref<!tpu.dma_semaphore, #tpu.memory_space<semaphore_mem>>)
      tpu.wait_dma2 semaphore(%run_scoped3A : memref<!tpu.dma_semaphore, #tpu.memory_space<semaphore_mem>>) src(%arg3 : memref<128x128xf32, #tpu.memory_space<hbm>>) dst(%arg6 : memref<128x128xf32, #tpu.memory_space<vmem>>)
      tpu.yield
    }) : () -> ()
    %barrier3A = arith.constant 0 : index
    tpu.barrier barrier_id(%barrier3A)
    %scan3A = arith.constant 0 : i32
    %scan3A_5 = arith.constant 40 : i32
    %scan3A_6 = arith.addi %scan3A, %scan3A_5 : i32
    %scan3A_7 = arith.constant 1 : i32
    scf.for %scan3A_18 = %scan3A to %scan3A_6 step %scan3A_7  : i32 {
      %mul3A_19 = arith.constant 1 : i32
      %mul3A_20 = arith.muli %scan3A_18, %mul3A_19 : i32
      %add3A_21 = arith.constant 0 : i32
      %add3A_22 = arith.addi %add3A_21, %mul3A_20 : i32
      %dma_start3A = arith.constant 0 : i32
      %dma_start3A_23 = tpu.memref_slice %arg7[%add3A_22, %dma_start3A] : memref<40x128xi32, #tpu.memory_space<vmem>> -> memref<1x128xi32, #tpu.memory_space<vmem>>
      %dma_start3A_24 = tpu.memref_squeeze %dma_start3A_23 : memref<1x128xi32, #tpu.memory_space<vmem>> -> memref<128xi32, #tpu.memory_space<vmem>>
      %dma_start3A_25 = arith.constant 0 : i32
      %dma_start3A_26 = arith.constant 0 : i32
      %dma_start3A_27 = tpu.memref_slice %arg9[%dma_start3A_25, %dma_start3A_26] : memref<10112x128xf32, #tpu.memory_space<vmem_shared>> -> memref<10112x128xf32, #tpu.memory_space<vmem_shared>>
      tpu.enqueue_indirect_dma source(%arg6 : memref<128x128xf32, #tpu.memory_space<vmem>>) target(%dma_start3A_27 : memref<10112x128xf32, #tpu.memory_space<vmem_shared>>) offsets(%dma_start3A_24 : memref<128xi32, #tpu.memory_space<vmem>>) semaphore(%arg8 : memref<!tpu.dma_semaphore, #tpu.memory_space<semaphore_mem>>) {add = true}
    }
    %scan3A_8 = arith.constant 40 : i32
    %scan3A_9 = arith.constant 0 : i32
    %scan3A_10 = arith.constant 40 : i32
    %scan3A_11 = arith.addi %scan3A_9, %scan3A_10 : i32
    %scan3A_12 = arith.constant 1 : i32
    scf.for %scan3A_18 = %scan3A_9 to %scan3A_11 step %scan3A_12  : i32 {
      %mul3A_19 = arith.constant 1 : i32
      %mul3A_20 = arith.muli %scan3A_18, %mul3A_19 : i32
      %add3A_21 = arith.constant 0 : i32
      %add3A_22 = arith.addi %add3A_21, %mul3A_20 : i32
      %dma_wait3A = arith.constant 0 : i32
      %dma_wait3A_23 = arith.constant 0 : i32
      %dma_wait3A_24 = tpu.memref_slice %arg7[%dma_wait3A, %dma_wait3A_23] : memref<40x128xi32, #tpu.memory_space<vmem>> -> memref<1x128xi32, #tpu.memory_space<vmem>>
      %dma_wait3A_25 = tpu.memref_squeeze %dma_wait3A_24 : memref<1x128xi32, #tpu.memory_space<vmem>> -> memref<128xi32, #tpu.memory_space<vmem>>
      %dma_wait3A_26 = arith.constant 0 : i32
      %dma_wait3A_27 = arith.constant 0 : i32
      %dma_wait3A_28 = tpu.memref_slice %arg9[%dma_wait3A_26, %dma_wait3A_27] : memref<10112x128xf32, #tpu.memory_space<vmem_shared>> -> memref<10112x128xf32, #tpu.memory_space<vmem_shared>>
      tpu.wait_indirect_dma semaphore(%arg8 : memref<!tpu.dma_semaphore, #tpu.memory_space<semaphore_mem>>) src(%arg6 : memref<128x128xf32, #tpu.memory_space<vmem>>) dst(%dma_wait3A_28 : memref<10112x128xf32, #tpu.memory_space<vmem_shared>>)
    }
    %scan3A_13 = arith.constant 40 : i32
    %barrier3A_14 = arith.constant 0 : index
    tpu.barrier barrier_id(%barrier3A_14)
    %mul3A_15 = arith.constant 10112 : i32
    %mul3A_16 = arith.muli %arg0, %mul3A_15 : i32
    %add3A_17 = arith.addi %mul3A_16, %mul3A_0 : i32
    "tpu.region"() ({
      %run_scoped3A = tpu.sem_alloc : memref<!tpu.dma_semaphore, #tpu.memory_space<semaphore_mem>>
      %dma_start3A = arith.constant 0 : i32
      %dma_start3A_18 = tpu.memref_slice %arg5[%add3A_17, %dma_start3A] : memref<20224x128xf32, #tpu.memory_space<hbm>> -> memref<632x128xf32, #tpu.memory_space<hbm>>
      %dma_start3A_19 = arith.constant 0 : i32
      %dma_start3A_20 = tpu.memref_slice %arg9[%mul3A_0, %dma_start3A_19] : memref<10112x128xf32, #tpu.memory_space<vmem_shared>> -> memref<632x128xf32, #tpu.memory_space<vmem_shared>>
      tpu.enqueue_dma source(%dma_start3A_20 : memref<632x128xf32, #tpu.memory_space<vmem_shared>>) target(%dma_start3A_18 : memref<632x128xf32, #tpu.memory_space<hbm>>) target_semaphore(%run_scoped3A : memref<!tpu.dma_semaphore, #tpu.memory_space<semaphore_mem>>)
      %dma_wait3A = arith.constant 0 : i32
      %dma_wait3A_21 = tpu.memref_slice %arg5[%add3A_17, %dma_wait3A] : memref<20224x128xf32, #tpu.memory_space<hbm>> -> memref<632x128xf32, #tpu.memory_space<hbm>>
      %dma_wait3A_22 = arith.constant 0 : i32
      %dma_wait3A_23 = tpu.memref_slice %arg9[%mul3A_0, %dma_wait3A_22] : memref<10112x128xf32, #tpu.memory_space<vmem_shared>> -> memref<632x128xf32, #tpu.memory_space<vmem_shared>>
      tpu.wait_dma2 semaphore(%run_scoped3A : memref<!tpu.dma_semaphore, #tpu.memory_space<semaphore_mem>>) src(%dma_wait3A_23 : memref<632x128xf32, #tpu.memory_space<vmem_shared>>) dst(%dma_wait3A_21 : memref<632x128xf32, #tpu.memory_space<hbm>>)
      tpu.yield
    }) : () -> ()
    return
  }
}

#map = affine_map<(d0, d1) -> (0, 0)>
module attributes {stable_mosaic.version = 14 : i64} {
  func.func @run(%arg0: i32, %arg1: i32, %arg2: memref<1280x128xi32, #tpu.memory_space<hbm>>, %arg3: memref<1280x128xi32, #tpu.memory_space<hbm>>, %arg4: memref<10000x128xf32, #tpu.memory_space<hbm>>, %arg5: memref<10000x128xf32, #tpu.memory_space<hbm>>, %arg6: memref<10112x128xf32, #tpu.memory_space<hbm>>, %arg7: memref<10112x128xf32, #tpu.memory_space<hbm>>, %arg8: memref<10112x128xf32, #tpu.memory_space<hbm>>, %arg9: memref<80x128xi32, #tpu.memory_space<vmem>>, %arg10: memref<128x128xf32, #tpu.memory_space<vmem>>, %arg11: memref<128x128xf32, #tpu.memory_space<vmem>>, %arg12: memref<128xi32, #tpu.memory_space<vmem>>, %arg13: memref<128xi32, #tpu.memory_space<vmem>>, %arg14: memref<!tpu.dma_semaphore, #tpu.memory_space<semaphore_mem>>, %arg15: memref<!tpu.dma_semaphore, #tpu.memory_space<semaphore_mem>>, %arg16: memref<!tpu.dma_semaphore, #tpu.memory_space<semaphore_mem>>, %arg17: memref<!tpu.dma_semaphore, #tpu.memory_space<semaphore_mem>>, %arg18: memref<!tpu.dma_semaphore, #tpu.memory_space<semaphore_mem>>, %arg19: memref<!tpu.dma_semaphore, #tpu.memory_space<semaphore_mem>>, %arg20: memref<10112x128xf32, #tpu.memory_space<vmem_shared>>) attributes {dimension_semantics = [#tpu.dimension_semantics<core_parallel>, #tpu.dimension_semantics<subcore_parallel>], iteration_bounds = array<i64: 2, 16>, scalar_prefetch = 0 : i64, scratch_operands = 12 : i64, tpu.core_type = #tpu.core_type<sc_vector_subcore>, window_params = [{transform_indices = #map}, {transform_indices = #map}, {transform_indices = #map}, {transform_indices = #map}, {transform_indices = #map}, {transform_indices = #map}, {transform_indices = #map}]} {
    %mul3A = arith.constant 632 : i32
    %mul3A_0 = arith.muli %arg1, %mul3A : i32
    %mul3A_1 = arith.constant 80 : i32
    %mul3A_2 = arith.muli %arg1, %mul3A_1 : i32
    "tpu.region"() ({
      %run_scoped3A = tpu.sem_alloc : memref<!tpu.dma_semaphore, #tpu.memory_space<semaphore_mem>>
      %dma_start3A = arith.constant 0 : i32
      %dma_start3A_21 = tpu.memref_slice %arg2[%mul3A_2, %dma_start3A] : memref<1280x128xi32, #tpu.memory_space<hbm>> -> memref<80x128xi32, #tpu.memory_space<hbm>>
      %dma_start3A_22 = arith.constant 0 : i32
      %dma_start3A_23 = tpu.memref_slice %arg2[%mul3A_2, %dma_start3A_22] : memref<1280x128xi32, #tpu.memory_space<hbm>> -> memref<80x128xi32, #tpu.memory_space<hbm>>
      tpu.enqueue_dma source(%dma_start3A_23 : memref<80x128xi32, #tpu.memory_space<hbm>>) target(%arg9 : memref<80x128xi32, #tpu.memory_space<vmem>>) target_semaphore(%run_scoped3A : memref<!tpu.dma_semaphore, #tpu.memory_space<semaphore_mem>>)
      %dma_wait3A = arith.constant 0 : i32
      %dma_wait3A_24 = tpu.memref_slice %arg2[%mul3A_2, %dma_wait3A] : memref<1280x128xi32, #tpu.memory_space<hbm>> -> memref<80x128xi32, #tpu.memory_space<hbm>>
      %dma_wait3A_25 = arith.constant 0 : i32
      %dma_wait3A_26 = tpu.memref_slice %arg2[%mul3A_2, %dma_wait3A_25] : memref<1280x128xi32, #tpu.memory_space<hbm>> -> memref<80x128xi32, #tpu.memory_space<hbm>>
      tpu.wait_dma2 semaphore(%run_scoped3A : memref<!tpu.dma_semaphore, #tpu.memory_space<semaphore_mem>>) src(%dma_wait3A_26 : memref<80x128xi32, #tpu.memory_space<hbm>>) dst(%arg9 : memref<80x128xi32, #tpu.memory_space<vmem>>)
      tpu.yield
    }) : () -> ()
    "tpu.region"() ({
      %run_scoped3A = tpu.sem_alloc : memref<!tpu.dma_semaphore, #tpu.memory_space<semaphore_mem>>
      %dma_start3A = arith.constant 0 : i32
      %dma_start3A_21 = tpu.memref_slice %arg20[%mul3A_0, %dma_start3A] : memref<10112x128xf32, #tpu.memory_space<vmem_shared>> -> memref<632x128xf32, #tpu.memory_space<vmem_shared>>
      %dma_start3A_22 = arith.constant 0 : i32
      %dma_start3A_23 = tpu.memref_slice %arg6[%mul3A_0, %dma_start3A_22] : memref<10112x128xf32, #tpu.memory_space<hbm>> -> memref<632x128xf32, #tpu.memory_space<hbm>>
      tpu.enqueue_dma source(%dma_start3A_23 : memref<632x128xf32, #tpu.memory_space<hbm>>) target(%dma_start3A_21 : memref<632x128xf32, #tpu.memory_space<vmem_shared>>) target_semaphore(%run_scoped3A : memref<!tpu.dma_semaphore, #tpu.memory_space<semaphore_mem>>)
      %dma_wait3A = arith.constant 0 : i32
      %dma_wait3A_24 = tpu.memref_slice %arg20[%mul3A_0, %dma_wait3A] : memref<10112x128xf32, #tpu.memory_space<vmem_shared>> -> memref<632x128xf32, #tpu.memory_space<vmem_shared>>
      %dma_wait3A_25 = arith.constant 0 : i32
      %dma_wait3A_26 = tpu.memref_slice %arg6[%mul3A_0, %dma_wait3A_25] : memref<10112x128xf32, #tpu.memory_space<hbm>> -> memref<632x128xf32, #tpu.memory_space<hbm>>
      tpu.wait_dma2 semaphore(%run_scoped3A : memref<!tpu.dma_semaphore, #tpu.memory_space<semaphore_mem>>) src(%dma_wait3A_26 : memref<632x128xf32, #tpu.memory_space<hbm>>) dst(%dma_wait3A_24 : memref<632x128xf32, #tpu.memory_space<vmem_shared>>)
      tpu.yield
    }) : () -> ()
    %barrier3A = arith.constant 0 : index
    tpu.barrier barrier_id(%barrier3A)
    %eq3A = arith.constant 0 : i32
    %eq3A_3 = arith.cmpi eq, %arg0, %eq3A : i32
    %convert_element_type3A = arith.extui %eq3A_3 : i1 to i32
    %cond3A = arith.constant 0 : i32
    %cond3A_4 = arith.cmpi ne, %convert_element_type3A, %cond3A : i32
    scf.if %cond3A_4 {
      %dma_start3A = arith.constant 0 : i32
      %dma_start3A_21 = arith.constant 0 : i32
      %dma_start3A_22 = tpu.memref_slice %arg9[%dma_start3A, %dma_start3A_21] : memref<80x128xi32, #tpu.memory_space<vmem>> -> memref<1x128xi32, #tpu.memory_space<vmem>>
      %dma_start3A_23 = tpu.memref_squeeze %dma_start3A_22 : memref<1x128xi32, #tpu.memory_space<vmem>> -> memref<128xi32, #tpu.memory_space<vmem>>
      %dma_start3A_24 = arith.constant 0 : i32
      %dma_start3A_25 = arith.constant 0 : i32
      %dma_start3A_26 = tpu.memref_slice %arg4[%dma_start3A_24, %dma_start3A_25] : memref<10000x128xf32, #tpu.memory_space<hbm>> -> memref<10000x128xf32, #tpu.memory_space<hbm>>
      tpu.enqueue_indirect_dma source(%dma_start3A_26 : memref<10000x128xf32, #tpu.memory_space<hbm>>) target(%arg10 : memref<128x128xf32, #tpu.memory_space<vmem>>) offsets(%dma_start3A_23 : memref<128xi32, #tpu.memory_space<vmem>>) semaphore(%arg14 : memref<!tpu.dma_semaphore, #tpu.memory_space<semaphore_mem>>)
      %add3A = arith.constant 0 : i32
      %add3A_27 = arith.addi %mul3A_2, %add3A : i32
      %dma_start3A_28 = arith.constant 0 : i32
      %dma_start3A_29 = tpu.memref_slice %arg3[%add3A_27, %dma_start3A_28] : memref<1280x128xi32, #tpu.memory_space<hbm>> -> memref<1x128xi32, #tpu.memory_space<hbm>>
      %dma_start3A_30 = tpu.memref_squeeze %dma_start3A_29 : memref<1x128xi32, #tpu.memory_space<hbm>> -> memref<128xi32, #tpu.memory_space<hbm>>
      %dma_start3A_31 = arith.constant 0 : i32
      %dma_start3A_32 = tpu.memref_slice %arg3[%add3A_27, %dma_start3A_31] : memref<1280x128xi32, #tpu.memory_space<hbm>> -> memref<1x128xi32, #tpu.memory_space<hbm>>
      %dma_start3A_33 = tpu.memref_squeeze %dma_start3A_32 : memref<1x128xi32, #tpu.memory_space<hbm>> -> memref<128xi32, #tpu.memory_space<hbm>>
      tpu.enqueue_dma source(%dma_start3A_33 : memref<128xi32, #tpu.memory_space<hbm>>) target(%arg12 : memref<128xi32, #tpu.memory_space<vmem>>) target_semaphore(%arg18 : memref<!tpu.dma_semaphore, #tpu.memory_space<semaphore_mem>>)
      %dma_start3A_34 = arith.constant 1 : i32
      %dma_start3A_35 = arith.constant 0 : i32
      %dma_start3A_36 = tpu.memref_slice %arg9[%dma_start3A_34, %dma_start3A_35] : memref<80x128xi32, #tpu.memory_space<vmem>> -> memref<1x128xi32, #tpu.memory_space<vmem>>
      %dma_start3A_37 = tpu.memref_squeeze %dma_start3A_36 : memref<1x128xi32, #tpu.memory_space<vmem>> -> memref<128xi32, #tpu.memory_space<vmem>>
      %dma_start3A_38 = arith.constant 0 : i32
      %dma_start3A_39 = arith.constant 0 : i32
      %dma_start3A_40 = tpu.memref_slice %arg4[%dma_start3A_38, %dma_start3A_39] : memref<10000x128xf32, #tpu.memory_space<hbm>> -> memref<10000x128xf32, #tpu.memory_space<hbm>>
      tpu.enqueue_indirect_dma source(%dma_start3A_40 : memref<10000x128xf32, #tpu.memory_space<hbm>>) target(%arg11 : memref<128x128xf32, #tpu.memory_space<vmem>>) offsets(%dma_start3A_37 : memref<128xi32, #tpu.memory_space<vmem>>) semaphore(%arg15 : memref<!tpu.dma_semaphore, #tpu.memory_space<semaphore_mem>>)
      %add3A_41 = arith.constant 1 : i32
      %add3A_42 = arith.addi %mul3A_2, %add3A_41 : i32
      %dma_start3A_43 = arith.constant 0 : i32
      %dma_start3A_44 = tpu.memref_slice %arg3[%add3A_42, %dma_start3A_43] : memref<1280x128xi32, #tpu.memory_space<hbm>> -> memref<1x128xi32, #tpu.memory_space<hbm>>
      %dma_start3A_45 = tpu.memref_squeeze %dma_start3A_44 : memref<1x128xi32, #tpu.memory_space<hbm>> -> memref<128xi32, #tpu.memory_space<hbm>>
      %dma_start3A_46 = arith.constant 0 : i32
      %dma_start3A_47 = tpu.memref_slice %arg3[%add3A_42, %dma_start3A_46] : memref<1280x128xi32, #tpu.memory_space<hbm>> -> memref<1x128xi32, #tpu.memory_space<hbm>>
      %dma_start3A_48 = tpu.memref_squeeze %dma_start3A_47 : memref<1x128xi32, #tpu.memory_space<hbm>> -> memref<128xi32, #tpu.memory_space<hbm>>
      tpu.enqueue_dma source(%dma_start3A_48 : memref<128xi32, #tpu.memory_space<hbm>>) target(%arg13 : memref<128xi32, #tpu.memory_space<vmem>>) target_semaphore(%arg19 : memref<!tpu.dma_semaphore, #tpu.memory_space<semaphore_mem>>)
      %scan3A = arith.constant 0 : i32
      %scan3A_49 = arith.constant 40 : i32
      %scan3A_50 = arith.addi %scan3A, %scan3A_49 : i32
      %scan3A_51 = arith.constant 1 : i32
      scf.for %scan3A_58 = %scan3A to %scan3A_50 step %scan3A_51  : i32 {
        %mul3A_59 = arith.constant 2 : i32
        %mul3A_60 = arith.muli %scan3A_58, %mul3A_59 : i32
        %add3A_61 = arith.constant 0 : i32
        %add3A_62 = arith.addi %add3A_61, %mul3A_60 : i32
        %add3A_63 = arith.constant 0 : i32
        %add3A_64 = arith.addi %add3A_62, %add3A_63 : i32
        %dma_wait3A_65 = arith.constant 0 : i32
        %dma_wait3A_66 = arith.constant 0 : i32
        %dma_wait3A_67 = tpu.memref_slice %arg9[%dma_wait3A_65, %dma_wait3A_66] : memref<80x128xi32, #tpu.memory_space<vmem>> -> memref<1x128xi32, #tpu.memory_space<vmem>>
        %dma_wait3A_68 = tpu.memref_squeeze %dma_wait3A_67 : memref<1x128xi32, #tpu.memory_space<vmem>> -> memref<128xi32, #tpu.memory_space<vmem>>
        %dma_wait3A_69 = arith.constant 0 : i32
        %dma_wait3A_70 = arith.constant 0 : i32
        %dma_wait3A_71 = tpu.memref_slice %arg4[%dma_wait3A_69, %dma_wait3A_70] : memref<10000x128xf32, #tpu.memory_space<hbm>> -> memref<10000x128xf32, #tpu.memory_space<hbm>>
        tpu.wait_indirect_dma semaphore(%arg14 : memref<!tpu.dma_semaphore, #tpu.memory_space<semaphore_mem>>) src(%dma_wait3A_71 : memref<10000x128xf32, #tpu.memory_space<hbm>>) dst(%arg10 : memref<128x128xf32, #tpu.memory_space<vmem>>)
        %dma_wait3A_72 = arith.constant 0 : i32
        %dma_wait3A_73 = tpu.memref_slice %arg3[%mul3A_2, %dma_wait3A_72] : memref<1280x128xi32, #tpu.memory_space<hbm>> -> memref<1x128xi32, #tpu.memory_space<hbm>>
        %dma_wait3A_74 = tpu.memref_squeeze %dma_wait3A_73 : memref<1x128xi32, #tpu.memory_space<hbm>> -> memref<128xi32, #tpu.memory_space<hbm>>
        %dma_wait3A_75 = arith.constant 0 : i32
        %dma_wait3A_76 = tpu.memref_slice %arg3[%mul3A_2, %dma_wait3A_75] : memref<1280x128xi32, #tpu.memory_space<hbm>> -> memref<1x128xi32, #tpu.memory_space<hbm>>
        %dma_wait3A_77 = tpu.memref_squeeze %dma_wait3A_76 : memref<1x128xi32, #tpu.memory_space<hbm>> -> memref<128xi32, #tpu.memory_space<hbm>>
        tpu.wait_dma2 semaphore(%arg18 : memref<!tpu.dma_semaphore, #tpu.memory_space<semaphore_mem>>) src(%dma_wait3A_77 : memref<128xi32, #tpu.memory_space<hbm>>) dst(%arg12 : memref<128xi32, #tpu.memory_space<vmem>>)
        %dma_start3A_78 = arith.constant 0 : i32
        %dma_start3A_79 = arith.constant 0 : i32
        %dma_start3A_80 = tpu.memref_slice %arg20[%dma_start3A_78, %dma_start3A_79] : memref<10112x128xf32, #tpu.memory_space<vmem_shared>> -> memref<10112x128xf32, #tpu.memory_space<vmem_shared>>
        tpu.enqueue_indirect_dma source(%arg10 : memref<128x128xf32, #tpu.memory_space<vmem>>) target(%dma_start3A_80 : memref<10112x128xf32, #tpu.memory_space<vmem_shared>>) offsets(%arg12 : memref<128xi32, #tpu.memory_space<vmem>>) semaphore(%arg16 : memref<!tpu.dma_semaphore, #tpu.memory_space<semaphore_mem>>) {add = true}
        %add3A_81 = arith.constant 2 : i32
        %add3A_82 = arith.addi %add3A_64, %add3A_81 : i32
        %lt3A = arith.constant 80 : i32
        %lt3A_83 = arith.cmpi slt, %add3A_82, %lt3A : i32
        %convert_element_type3A_84 = arith.extui %lt3A_83 : i1 to i32
        %cond3A_85 = arith.constant 0 : i32
        %cond3A_86 = arith.cmpi ne, %convert_element_type3A_84, %cond3A_85 : i32
        scf.if %cond3A_86 {
          %dma_wait3A_112 = arith.constant 0 : i32
          %dma_wait3A_113 = arith.constant 0 : i32
          %dma_wait3A_114 = tpu.memref_slice %arg20[%dma_wait3A_112, %dma_wait3A_113] : memref<10112x128xf32, #tpu.memory_space<vmem_shared>> -> memref<10112x128xf32, #tpu.memory_space<vmem_shared>>
          tpu.wait_indirect_dma semaphore(%arg16 : memref<!tpu.dma_semaphore, #tpu.memory_space<semaphore_mem>>) src(%arg10 : memref<128x128xf32, #tpu.memory_space<vmem>>) dst(%dma_wait3A_114 : memref<10112x128xf32, #tpu.memory_space<vmem_shared>>)
          %add3A_115 = arith.constant 2 : i32
          %add3A_116 = arith.addi %add3A_64, %add3A_115 : i32
          %dma_start3A_117 = arith.constant 0 : i32
          %dma_start3A_118 = tpu.memref_slice %arg9[%add3A_116, %dma_start3A_117] : memref<80x128xi32, #tpu.memory_space<vmem>> -> memref<1x128xi32, #tpu.memory_space<vmem>>
          %dma_start3A_119 = tpu.memref_squeeze %dma_start3A_118 : memref<1x128xi32, #tpu.memory_space<vmem>> -> memref<128xi32, #tpu.memory_space<vmem>>
          %dma_start3A_120 = arith.constant 0 : i32
          %dma_start3A_121 = arith.constant 0 : i32
          %dma_start3A_122 = tpu.memref_slice %arg4[%dma_start3A_120, %dma_start3A_121] : memref<10000x128xf32, #tpu.memory_space<hbm>> -> memref<10000x128xf32, #tpu.memory_space<hbm>>
          tpu.enqueue_indirect_dma source(%dma_start3A_122 : memref<10000x128xf32, #tpu.memory_space<hbm>>) target(%arg10 : memref<128x128xf32, #tpu.memory_space<vmem>>) offsets(%dma_start3A_119 : memref<128xi32, #tpu.memory_space<vmem>>) semaphore(%arg14 : memref<!tpu.dma_semaphore, #tpu.memory_space<semaphore_mem>>)
          %add3A_123 = arith.constant 2 : i32
          %add3A_124 = arith.addi %add3A_64, %add3A_123 : i32
          %add3A_125 = arith.addi %mul3A_2, %add3A_124 : i32
          %dma_start3A_126 = arith.constant 0 : i32
          %dma_start3A_127 = tpu.memref_slice %arg3[%add3A_125, %dma_start3A_126] : memref<1280x128xi32, #tpu.memory_space<hbm>> -> memref<1x128xi32, #tpu.memory_space<hbm>>
          %dma_start3A_128 = tpu.memref_squeeze %dma_start3A_127 : memref<1x128xi32, #tpu.memory_space<hbm>> -> memref<128xi32, #tpu.memory_space<hbm>>
          %dma_start3A_129 = arith.constant 0 : i32
          %dma_start3A_130 = tpu.memref_slice %arg3[%add3A_125, %dma_start3A_129] : memref<1280x128xi32, #tpu.memory_space<hbm>> -> memref<1x128xi32, #tpu.memory_space<hbm>>
          %dma_start3A_131 = tpu.memref_squeeze %dma_start3A_130 : memref<1x128xi32, #tpu.memory_space<hbm>> -> memref<128xi32, #tpu.memory_space<hbm>>
          tpu.enqueue_dma source(%dma_start3A_131 : memref<128xi32, #tpu.memory_space<hbm>>) target(%arg12 : memref<128xi32, #tpu.memory_space<vmem>>) target_semaphore(%arg18 : memref<!tpu.dma_semaphore, #tpu.memory_space<semaphore_mem>>)
        } else {
        }
        %add3A_87 = arith.constant 1 : i32
        %add3A_88 = arith.addi %add3A_62, %add3A_87 : i32
        %dma_wait3A_89 = arith.constant 0 : i32
        %dma_wait3A_90 = arith.constant 0 : i32
        %dma_wait3A_91 = tpu.memref_slice %arg9[%dma_wait3A_89, %dma_wait3A_90] : memref<80x128xi32, #tpu.memory_space<vmem>> -> memref<1x128xi32, #tpu.memory_space<vmem>>
        %dma_wait3A_92 = tpu.memref_squeeze %dma_wait3A_91 : memref<1x128xi32, #tpu.memory_space<vmem>> -> memref<128xi32, #tpu.memory_space<vmem>>
        %dma_wait3A_93 = arith.constant 0 : i32
        %dma_wait3A_94 = arith.constant 0 : i32
        %dma_wait3A_95 = tpu.memref_slice %arg4[%dma_wait3A_93, %dma_wait3A_94] : memref<10000x128xf32, #tpu.memory_space<hbm>> -> memref<10000x128xf32, #tpu.memory_space<hbm>>
        tpu.wait_indirect_dma semaphore(%arg15 : memref<!tpu.dma_semaphore, #tpu.memory_space<semaphore_mem>>) src(%dma_wait3A_95 : memref<10000x128xf32, #tpu.memory_space<hbm>>) dst(%arg11 : memref<128x128xf32, #tpu.memory_space<vmem>>)
        %dma_wait3A_96 = arith.constant 0 : i32
        %dma_wait3A_97 = tpu.memref_slice %arg3[%mul3A_2, %dma_wait3A_96] : memref<1280x128xi32, #tpu.memory_space<hbm>> -> memref<1x128xi32, #tpu.memory_space<hbm>>
        %dma_wait3A_98 = tpu.memref_squeeze %dma_wait3A_97 : memref<1x128xi32, #tpu.memory_space<hbm>> -> memref<128xi32, #tpu.memory_space<hbm>>
        %dma_wait3A_99 = arith.constant 0 : i32
        %dma_wait3A_100 = tpu.memref_slice %arg3[%mul3A_2, %dma_wait3A_99] : memref<1280x128xi32, #tpu.memory_space<hbm>> -> memref<1x128xi32, #tpu.memory_space<hbm>>
        %dma_wait3A_101 = tpu.memref_squeeze %dma_wait3A_100 : memref<1x128xi32, #tpu.memory_space<hbm>> -> memref<128xi32, #tpu.memory_space<hbm>>
        tpu.wait_dma2 semaphore(%arg19 : memref<!tpu.dma_semaphore, #tpu.memory_space<semaphore_mem>>) src(%dma_wait3A_101 : memref<128xi32, #tpu.memory_space<hbm>>) dst(%arg13 : memref<128xi32, #tpu.memory_space<vmem>>)
        %dma_start3A_102 = arith.constant 0 : i32
        %dma_start3A_103 = arith.constant 0 : i32
        %dma_start3A_104 = tpu.memref_slice %arg20[%dma_start3A_102, %dma_start3A_103] : memref<10112x128xf32, #tpu.memory_space<vmem_shared>> -> memref<10112x128xf32, #tpu.memory_space<vmem_shared>>
        tpu.enqueue_indirect_dma source(%arg11 : memref<128x128xf32, #tpu.memory_space<vmem>>) target(%dma_start3A_104 : memref<10112x128xf32, #tpu.memory_space<vmem_shared>>) offsets(%arg13 : memref<128xi32, #tpu.memory_space<vmem>>) semaphore(%arg17 : memref<!tpu.dma_semaphore, #tpu.memory_space<semaphore_mem>>) {add = true}
        %add3A_105 = arith.constant 2 : i32
        %add3A_106 = arith.addi %add3A_88, %add3A_105 : i32
        %lt3A_107 = arith.constant 80 : i32
        %lt3A_108 = arith.cmpi slt, %add3A_106, %lt3A_107 : i32
        %convert_element_type3A_109 = arith.extui %lt3A_108 : i1 to i32
        %cond3A_110 = arith.constant 0 : i32
        %cond3A_111 = arith.cmpi ne, %convert_element_type3A_109, %cond3A_110 : i32
        scf.if %cond3A_111 {
          %dma_wait3A_112 = arith.constant 0 : i32
          %dma_wait3A_113 = arith.constant 0 : i32
          %dma_wait3A_114 = tpu.memref_slice %arg20[%dma_wait3A_112, %dma_wait3A_113] : memref<10112x128xf32, #tpu.memory_space<vmem_shared>> -> memref<10112x128xf32, #tpu.memory_space<vmem_shared>>
          tpu.wait_indirect_dma semaphore(%arg17 : memref<!tpu.dma_semaphore, #tpu.memory_space<semaphore_mem>>) src(%arg11 : memref<128x128xf32, #tpu.memory_space<vmem>>) dst(%dma_wait3A_114 : memref<10112x128xf32, #tpu.memory_space<vmem_shared>>)
          %add3A_115 = arith.constant 2 : i32
          %add3A_116 = arith.addi %add3A_88, %add3A_115 : i32
          %dma_start3A_117 = arith.constant 0 : i32
          %dma_start3A_118 = tpu.memref_slice %arg9[%add3A_116, %dma_start3A_117] : memref<80x128xi32, #tpu.memory_space<vmem>> -> memref<1x128xi32, #tpu.memory_space<vmem>>
          %dma_start3A_119 = tpu.memref_squeeze %dma_start3A_118 : memref<1x128xi32, #tpu.memory_space<vmem>> -> memref<128xi32, #tpu.memory_space<vmem>>
          %dma_start3A_120 = arith.constant 0 : i32
          %dma_start3A_121 = arith.constant 0 : i32
          %dma_start3A_122 = tpu.memref_slice %arg4[%dma_start3A_120, %dma_start3A_121] : memref<10000x128xf32, #tpu.memory_space<hbm>> -> memref<10000x128xf32, #tpu.memory_space<hbm>>
          tpu.enqueue_indirect_dma source(%dma_start3A_122 : memref<10000x128xf32, #tpu.memory_space<hbm>>) target(%arg11 : memref<128x128xf32, #tpu.memory_space<vmem>>) offsets(%dma_start3A_119 : memref<128xi32, #tpu.memory_space<vmem>>) semaphore(%arg15 : memref<!tpu.dma_semaphore, #tpu.memory_space<semaphore_mem>>)
          %add3A_123 = arith.constant 2 : i32
          %add3A_124 = arith.addi %add3A_88, %add3A_123 : i32
          %add3A_125 = arith.addi %mul3A_2, %add3A_124 : i32
          %dma_start3A_126 = arith.constant 0 : i32
          %dma_start3A_127 = tpu.memref_slice %arg3[%add3A_125, %dma_start3A_126] : memref<1280x128xi32, #tpu.memory_space<hbm>> -> memref<1x128xi32, #tpu.memory_space<hbm>>
          %dma_start3A_128 = tpu.memref_squeeze %dma_start3A_127 : memref<1x128xi32, #tpu.memory_space<hbm>> -> memref<128xi32, #tpu.memory_space<hbm>>
          %dma_start3A_129 = arith.constant 0 : i32
          %dma_start3A_130 = tpu.memref_slice %arg3[%add3A_125, %dma_start3A_129] : memref<1280x128xi32, #tpu.memory_space<hbm>> -> memref<1x128xi32, #tpu.memory_space<hbm>>
          %dma_start3A_131 = tpu.memref_squeeze %dma_start3A_130 : memref<1x128xi32, #tpu.memory_space<hbm>> -> memref<128xi32, #tpu.memory_space<hbm>>
          tpu.enqueue_dma source(%dma_start3A_131 : memref<128xi32, #tpu.memory_space<hbm>>) target(%arg13 : memref<128xi32, #tpu.memory_space<vmem>>) target_semaphore(%arg19 : memref<!tpu.dma_semaphore, #tpu.memory_space<semaphore_mem>>)
        } else {
        }
      }
      %scan3A_52 = arith.constant 40 : i32
      %dma_wait3A = arith.constant 0 : i32
      %dma_wait3A_53 = arith.constant 0 : i32
      %dma_wait3A_54 = tpu.memref_slice %arg20[%dma_wait3A, %dma_wait3A_53] : memref<10112x128xf32, #tpu.memory_space<vmem_shared>> -> memref<10112x128xf32, #tpu.memory_space<vmem_shared>>
      tpu.wait_indirect_dma semaphore(%arg16 : memref<!tpu.dma_semaphore, #tpu.memory_space<semaphore_mem>>) src(%arg10 : memref<128x128xf32, #tpu.memory_space<vmem>>) dst(%dma_wait3A_54 : memref<10112x128xf32, #tpu.memory_space<vmem_shared>>)
      %dma_wait3A_55 = arith.constant 0 : i32
      %dma_wait3A_56 = arith.constant 0 : i32
      %dma_wait3A_57 = tpu.memref_slice %arg20[%dma_wait3A_55, %dma_wait3A_56] : memref<10112x128xf32, #tpu.memory_space<vmem_shared>> -> memref<10112x128xf32, #tpu.memory_space<vmem_shared>>
      tpu.wait_indirect_dma semaphore(%arg17 : memref<!tpu.dma_semaphore, #tpu.memory_space<semaphore_mem>>) src(%arg11 : memref<128x128xf32, #tpu.memory_space<vmem>>) dst(%dma_wait3A_57 : memref<10112x128xf32, #tpu.memory_space<vmem_shared>>)
    } else {
    }
    %eq3A_5 = arith.constant 1 : i32
    %eq3A_6 = arith.cmpi eq, %arg0, %eq3A_5 : i32
    %convert_element_type3A_7 = arith.extui %eq3A_6 : i1 to i32
    %cond3A_8 = arith.constant 0 : i32
    %cond3A_9 = arith.cmpi ne, %convert_element_type3A_7, %cond3A_8 : i32
    scf.if %cond3A_9 {
      %dma_start3A = arith.constant 0 : i32
      %dma_start3A_21 = arith.constant 0 : i32
      %dma_start3A_22 = tpu.memref_slice %arg9[%dma_start3A, %dma_start3A_21] : memref<80x128xi32, #tpu.memory_space<vmem>> -> memref<1x128xi32, #tpu.memory_space<vmem>>
      %dma_start3A_23 = tpu.memref_squeeze %dma_start3A_22 : memref<1x128xi32, #tpu.memory_space<vmem>> -> memref<128xi32, #tpu.memory_space<vmem>>
      %dma_start3A_24 = arith.constant 0 : i32
      %dma_start3A_25 = arith.constant 0 : i32
      %dma_start3A_26 = tpu.memref_slice %arg5[%dma_start3A_24, %dma_start3A_25] : memref<10000x128xf32, #tpu.memory_space<hbm>> -> memref<10000x128xf32, #tpu.memory_space<hbm>>
      tpu.enqueue_indirect_dma source(%dma_start3A_26 : memref<10000x128xf32, #tpu.memory_space<hbm>>) target(%arg10 : memref<128x128xf32, #tpu.memory_space<vmem>>) offsets(%dma_start3A_23 : memref<128xi32, #tpu.memory_space<vmem>>) semaphore(%arg14 : memref<!tpu.dma_semaphore, #tpu.memory_space<semaphore_mem>>)
      %add3A = arith.constant 0 : i32
      %add3A_27 = arith.addi %mul3A_2, %add3A : i32
      %dma_start3A_28 = arith.constant 0 : i32
      %dma_start3A_29 = tpu.memref_slice %arg3[%add3A_27, %dma_start3A_28] : memref<1280x128xi32, #tpu.memory_space<hbm>> -> memref<1x128xi32, #tpu.memory_space<hbm>>
      %dma_start3A_30 = tpu.memref_squeeze %dma_start3A_29 : memref<1x128xi32, #tpu.memory_space<hbm>> -> memref<128xi32, #tpu.memory_space<hbm>>
      %dma_start3A_31 = arith.constant 0 : i32
      %dma_start3A_32 = tpu.memref_slice %arg3[%add3A_27, %dma_start3A_31] : memref<1280x128xi32, #tpu.memory_space<hbm>> -> memref<1x128xi32, #tpu.memory_space<hbm>>
      %dma_start3A_33 = tpu.memref_squeeze %dma_start3A_32 : memref<1x128xi32, #tpu.memory_space<hbm>> -> memref<128xi32, #tpu.memory_space<hbm>>
      tpu.enqueue_dma source(%dma_start3A_33 : memref<128xi32, #tpu.memory_space<hbm>>) target(%arg12 : memref<128xi32, #tpu.memory_space<vmem>>) target_semaphore(%arg18 : memref<!tpu.dma_semaphore, #tpu.memory_space<semaphore_mem>>)
      %dma_start3A_34 = arith.constant 1 : i32
      %dma_start3A_35 = arith.constant 0 : i32
      %dma_start3A_36 = tpu.memref_slice %arg9[%dma_start3A_34, %dma_start3A_35] : memref<80x128xi32, #tpu.memory_space<vmem>> -> memref<1x128xi32, #tpu.memory_space<vmem>>
      %dma_start3A_37 = tpu.memref_squeeze %dma_start3A_36 : memref<1x128xi32, #tpu.memory_space<vmem>> -> memref<128xi32, #tpu.memory_space<vmem>>
      %dma_start3A_38 = arith.constant 0 : i32
      %dma_start3A_39 = arith.constant 0 : i32
      %dma_start3A_40 = tpu.memref_slice %arg5[%dma_start3A_38, %dma_start3A_39] : memref<10000x128xf32, #tpu.memory_space<hbm>> -> memref<10000x128xf32, #tpu.memory_space<hbm>>
      tpu.enqueue_indirect_dma source(%dma_start3A_40 : memref<10000x128xf32, #tpu.memory_space<hbm>>) target(%arg11 : memref<128x128xf32, #tpu.memory_space<vmem>>) offsets(%dma_start3A_37 : memref<128xi32, #tpu.memory_space<vmem>>) semaphore(%arg15 : memref<!tpu.dma_semaphore, #tpu.memory_space<semaphore_mem>>)
      %add3A_41 = arith.constant 1 : i32
      %add3A_42 = arith.addi %mul3A_2, %add3A_41 : i32
      %dma_start3A_43 = arith.constant 0 : i32
      %dma_start3A_44 = tpu.memref_slice %arg3[%add3A_42, %dma_start3A_43] : memref<1280x128xi32, #tpu.memory_space<hbm>> -> memref<1x128xi32, #tpu.memory_space<hbm>>
      %dma_start3A_45 = tpu.memref_squeeze %dma_start3A_44 : memref<1x128xi32, #tpu.memory_space<hbm>> -> memref<128xi32, #tpu.memory_space<hbm>>
      %dma_start3A_46 = arith.constant 0 : i32
      %dma_start3A_47 = tpu.memref_slice %arg3[%add3A_42, %dma_start3A_46] : memref<1280x128xi32, #tpu.memory_space<hbm>> -> memref<1x128xi32, #tpu.memory_space<hbm>>
      %dma_start3A_48 = tpu.memref_squeeze %dma_start3A_47 : memref<1x128xi32, #tpu.memory_space<hbm>> -> memref<128xi32, #tpu.memory_space<hbm>>
      tpu.enqueue_dma source(%dma_start3A_48 : memref<128xi32, #tpu.memory_space<hbm>>) target(%arg13 : memref<128xi32, #tpu.memory_space<vmem>>) target_semaphore(%arg19 : memref<!tpu.dma_semaphore, #tpu.memory_space<semaphore_mem>>)
      %scan3A = arith.constant 0 : i32
      %scan3A_49 = arith.constant 40 : i32
      %scan3A_50 = arith.addi %scan3A, %scan3A_49 : i32
      %scan3A_51 = arith.constant 1 : i32
      scf.for %scan3A_58 = %scan3A to %scan3A_50 step %scan3A_51  : i32 {
        %mul3A_59 = arith.constant 2 : i32
        %mul3A_60 = arith.muli %scan3A_58, %mul3A_59 : i32
        %add3A_61 = arith.constant 0 : i32
        %add3A_62 = arith.addi %add3A_61, %mul3A_60 : i32
        %add3A_63 = arith.constant 0 : i32
        %add3A_64 = arith.addi %add3A_62, %add3A_63 : i32
        %dma_wait3A_65 = arith.constant 0 : i32
        %dma_wait3A_66 = arith.constant 0 : i32
        %dma_wait3A_67 = tpu.memref_slice %arg9[%dma_wait3A_65, %dma_wait3A_66] : memref<80x128xi32, #tpu.memory_space<vmem>> -> memref<1x128xi32, #tpu.memory_space<vmem>>
        %dma_wait3A_68 = tpu.memref_squeeze %dma_wait3A_67 : memref<1x128xi32, #tpu.memory_space<vmem>> -> memref<128xi32, #tpu.memory_space<vmem>>
        %dma_wait3A_69 = arith.constant 0 : i32
        %dma_wait3A_70 = arith.constant 0 : i32
        %dma_wait3A_71 = tpu.memref_slice %arg5[%dma_wait3A_69, %dma_wait3A_70] : memref<10000x128xf32, #tpu.memory_space<hbm>> -> memref<10000x128xf32, #tpu.memory_space<hbm>>
        tpu.wait_indirect_dma semaphore(%arg14 : memref<!tpu.dma_semaphore, #tpu.memory_space<semaphore_mem>>) src(%dma_wait3A_71 : memref<10000x128xf32, #tpu.memory_space<hbm>>) dst(%arg10 : memref<128x128xf32, #tpu.memory_space<vmem>>)
        %dma_wait3A_72 = arith.constant 0 : i32
        %dma_wait3A_73 = tpu.memref_slice %arg3[%mul3A_2, %dma_wait3A_72] : memref<1280x128xi32, #tpu.memory_space<hbm>> -> memref<1x128xi32, #tpu.memory_space<hbm>>
        %dma_wait3A_74 = tpu.memref_squeeze %dma_wait3A_73 : memref<1x128xi32, #tpu.memory_space<hbm>> -> memref<128xi32, #tpu.memory_space<hbm>>
        %dma_wait3A_75 = arith.constant 0 : i32
        %dma_wait3A_76 = tpu.memref_slice %arg3[%mul3A_2, %dma_wait3A_75] : memref<1280x128xi32, #tpu.memory_space<hbm>> -> memref<1x128xi32, #tpu.memory_space<hbm>>
        %dma_wait3A_77 = tpu.memref_squeeze %dma_wait3A_76 : memref<1x128xi32, #tpu.memory_space<hbm>> -> memref<128xi32, #tpu.memory_space<hbm>>
        tpu.wait_dma2 semaphore(%arg18 : memref<!tpu.dma_semaphore, #tpu.memory_space<semaphore_mem>>) src(%dma_wait3A_77 : memref<128xi32, #tpu.memory_space<hbm>>) dst(%arg12 : memref<128xi32, #tpu.memory_space<vmem>>)
        %dma_start3A_78 = arith.constant 0 : i32
        %dma_start3A_79 = arith.constant 0 : i32
        %dma_start3A_80 = tpu.memref_slice %arg20[%dma_start3A_78, %dma_start3A_79] : memref<10112x128xf32, #tpu.memory_space<vmem_shared>> -> memref<10112x128xf32, #tpu.memory_space<vmem_shared>>
        tpu.enqueue_indirect_dma source(%arg10 : memref<128x128xf32, #tpu.memory_space<vmem>>) target(%dma_start3A_80 : memref<10112x128xf32, #tpu.memory_space<vmem_shared>>) offsets(%arg12 : memref<128xi32, #tpu.memory_space<vmem>>) semaphore(%arg16 : memref<!tpu.dma_semaphore, #tpu.memory_space<semaphore_mem>>) {add = true}
        %add3A_81 = arith.constant 2 : i32
        %add3A_82 = arith.addi %add3A_64, %add3A_81 : i32
        %lt3A = arith.constant 80 : i32
        %lt3A_83 = arith.cmpi slt, %add3A_82, %lt3A : i32
        %convert_element_type3A_84 = arith.extui %lt3A_83 : i1 to i32
        %cond3A_85 = arith.constant 0 : i32
        %cond3A_86 = arith.cmpi ne, %convert_element_type3A_84, %cond3A_85 : i32
        scf.if %cond3A_86 {
          %dma_wait3A_112 = arith.constant 0 : i32
          %dma_wait3A_113 = arith.constant 0 : i32
          %dma_wait3A_114 = tpu.memref_slice %arg20[%dma_wait3A_112, %dma_wait3A_113] : memref<10112x128xf32, #tpu.memory_space<vmem_shared>> -> memref<10112x128xf32, #tpu.memory_space<vmem_shared>>
          tpu.wait_indirect_dma semaphore(%arg16 : memref<!tpu.dma_semaphore, #tpu.memory_space<semaphore_mem>>) src(%arg10 : memref<128x128xf32, #tpu.memory_space<vmem>>) dst(%dma_wait3A_114 : memref<10112x128xf32, #tpu.memory_space<vmem_shared>>)
          %add3A_115 = arith.constant 2 : i32
          %add3A_116 = arith.addi %add3A_64, %add3A_115 : i32
          %dma_start3A_117 = arith.constant 0 : i32
          %dma_start3A_118 = tpu.memref_slice %arg9[%add3A_116, %dma_start3A_117] : memref<80x128xi32, #tpu.memory_space<vmem>> -> memref<1x128xi32, #tpu.memory_space<vmem>>
          %dma_start3A_119 = tpu.memref_squeeze %dma_start3A_118 : memref<1x128xi32, #tpu.memory_space<vmem>> -> memref<128xi32, #tpu.memory_space<vmem>>
          %dma_start3A_120 = arith.constant 0 : i32
          %dma_start3A_121 = arith.constant 0 : i32
          %dma_start3A_122 = tpu.memref_slice %arg5[%dma_start3A_120, %dma_start3A_121] : memref<10000x128xf32, #tpu.memory_space<hbm>> -> memref<10000x128xf32, #tpu.memory_space<hbm>>
          tpu.enqueue_indirect_dma source(%dma_start3A_122 : memref<10000x128xf32, #tpu.memory_space<hbm>>) target(%arg10 : memref<128x128xf32, #tpu.memory_space<vmem>>) offsets(%dma_start3A_119 : memref<128xi32, #tpu.memory_space<vmem>>) semaphore(%arg14 : memref<!tpu.dma_semaphore, #tpu.memory_space<semaphore_mem>>)
          %add3A_123 = arith.constant 2 : i32
          %add3A_124 = arith.addi %add3A_64, %add3A_123 : i32
          %add3A_125 = arith.addi %mul3A_2, %add3A_124 : i32
          %dma_start3A_126 = arith.constant 0 : i32
          %dma_start3A_127 = tpu.memref_slice %arg3[%add3A_125, %dma_start3A_126] : memref<1280x128xi32, #tpu.memory_space<hbm>> -> memref<1x128xi32, #tpu.memory_space<hbm>>
          %dma_start3A_128 = tpu.memref_squeeze %dma_start3A_127 : memref<1x128xi32, #tpu.memory_space<hbm>> -> memref<128xi32, #tpu.memory_space<hbm>>
          %dma_start3A_129 = arith.constant 0 : i32
          %dma_start3A_130 = tpu.memref_slice %arg3[%add3A_125, %dma_start3A_129] : memref<1280x128xi32, #tpu.memory_space<hbm>> -> memref<1x128xi32, #tpu.memory_space<hbm>>
          %dma_start3A_131 = tpu.memref_squeeze %dma_start3A_130 : memref<1x128xi32, #tpu.memory_space<hbm>> -> memref<128xi32, #tpu.memory_space<hbm>>
          tpu.enqueue_dma source(%dma_start3A_131 : memref<128xi32, #tpu.memory_space<hbm>>) target(%arg12 : memref<128xi32, #tpu.memory_space<vmem>>) target_semaphore(%arg18 : memref<!tpu.dma_semaphore, #tpu.memory_space<semaphore_mem>>)
        } else {
        }
        %add3A_87 = arith.constant 1 : i32
        %add3A_88 = arith.addi %add3A_62, %add3A_87 : i32
        %dma_wait3A_89 = arith.constant 0 : i32
        %dma_wait3A_90 = arith.constant 0 : i32
        %dma_wait3A_91 = tpu.memref_slice %arg9[%dma_wait3A_89, %dma_wait3A_90] : memref<80x128xi32, #tpu.memory_space<vmem>> -> memref<1x128xi32, #tpu.memory_space<vmem>>
        %dma_wait3A_92 = tpu.memref_squeeze %dma_wait3A_91 : memref<1x128xi32, #tpu.memory_space<vmem>> -> memref<128xi32, #tpu.memory_space<vmem>>
        %dma_wait3A_93 = arith.constant 0 : i32
        %dma_wait3A_94 = arith.constant 0 : i32
        %dma_wait3A_95 = tpu.memref_slice %arg5[%dma_wait3A_93, %dma_wait3A_94] : memref<10000x128xf32, #tpu.memory_space<hbm>> -> memref<10000x128xf32, #tpu.memory_space<hbm>>
        tpu.wait_indirect_dma semaphore(%arg15 : memref<!tpu.dma_semaphore, #tpu.memory_space<semaphore_mem>>) src(%dma_wait3A_95 : memref<10000x128xf32, #tpu.memory_space<hbm>>) dst(%arg11 : memref<128x128xf32, #tpu.memory_space<vmem>>)
        %dma_wait3A_96 = arith.constant 0 : i32
        %dma_wait3A_97 = tpu.memref_slice %arg3[%mul3A_2, %dma_wait3A_96] : memref<1280x128xi32, #tpu.memory_space<hbm>> -> memref<1x128xi32, #tpu.memory_space<hbm>>
        %dma_wait3A_98 = tpu.memref_squeeze %dma_wait3A_97 : memref<1x128xi32, #tpu.memory_space<hbm>> -> memref<128xi32, #tpu.memory_space<hbm>>
        %dma_wait3A_99 = arith.constant 0 : i32
        %dma_wait3A_100 = tpu.memref_slice %arg3[%mul3A_2, %dma_wait3A_99] : memref<1280x128xi32, #tpu.memory_space<hbm>> -> memref<1x128xi32, #tpu.memory_space<hbm>>
        %dma_wait3A_101 = tpu.memref_squeeze %dma_wait3A_100 : memref<1x128xi32, #tpu.memory_space<hbm>> -> memref<128xi32, #tpu.memory_space<hbm>>
        tpu.wait_dma2 semaphore(%arg19 : memref<!tpu.dma_semaphore, #tpu.memory_space<semaphore_mem>>) src(%dma_wait3A_101 : memref<128xi32, #tpu.memory_space<hbm>>) dst(%arg13 : memref<128xi32, #tpu.memory_space<vmem>>)
        %dma_start3A_102 = arith.constant 0 : i32
        %dma_start3A_103 = arith.constant 0 : i32
        %dma_start3A_104 = tpu.memref_slice %arg20[%dma_start3A_102, %dma_start3A_103] : memref<10112x128xf32, #tpu.memory_space<vmem_shared>> -> memref<10112x128xf32, #tpu.memory_space<vmem_shared>>
        tpu.enqueue_indirect_dma source(%arg11 : memref<128x128xf32, #tpu.memory_space<vmem>>) target(%dma_start3A_104 : memref<10112x128xf32, #tpu.memory_space<vmem_shared>>) offsets(%arg13 : memref<128xi32, #tpu.memory_space<vmem>>) semaphore(%arg17 : memref<!tpu.dma_semaphore, #tpu.memory_space<semaphore_mem>>) {add = true}
        %add3A_105 = arith.constant 2 : i32
        %add3A_106 = arith.addi %add3A_88, %add3A_105 : i32
        %lt3A_107 = arith.constant 80 : i32
        %lt3A_108 = arith.cmpi slt, %add3A_106, %lt3A_107 : i32
        %convert_element_type3A_109 = arith.extui %lt3A_108 : i1 to i32
        %cond3A_110 = arith.constant 0 : i32
        %cond3A_111 = arith.cmpi ne, %convert_element_type3A_109, %cond3A_110 : i32
        scf.if %cond3A_111 {
          %dma_wait3A_112 = arith.constant 0 : i32
          %dma_wait3A_113 = arith.constant 0 : i32
          %dma_wait3A_114 = tpu.memref_slice %arg20[%dma_wait3A_112, %dma_wait3A_113] : memref<10112x128xf32, #tpu.memory_space<vmem_shared>> -> memref<10112x128xf32, #tpu.memory_space<vmem_shared>>
          tpu.wait_indirect_dma semaphore(%arg17 : memref<!tpu.dma_semaphore, #tpu.memory_space<semaphore_mem>>) src(%arg11 : memref<128x128xf32, #tpu.memory_space<vmem>>) dst(%dma_wait3A_114 : memref<10112x128xf32, #tpu.memory_space<vmem_shared>>)
          %add3A_115 = arith.constant 2 : i32
          %add3A_116 = arith.addi %add3A_88, %add3A_115 : i32
          %dma_start3A_117 = arith.constant 0 : i32
          %dma_start3A_118 = tpu.memref_slice %arg9[%add3A_116, %dma_start3A_117] : memref<80x128xi32, #tpu.memory_space<vmem>> -> memref<1x128xi32, #tpu.memory_space<vmem>>
          %dma_start3A_119 = tpu.memref_squeeze %dma_start3A_118 : memref<1x128xi32, #tpu.memory_space<vmem>> -> memref<128xi32, #tpu.memory_space<vmem>>
          %dma_start3A_120 = arith.constant 0 : i32
          %dma_start3A_121 = arith.constant 0 : i32
          %dma_start3A_122 = tpu.memref_slice %arg5[%dma_start3A_120, %dma_start3A_121] : memref<10000x128xf32, #tpu.memory_space<hbm>> -> memref<10000x128xf32, #tpu.memory_space<hbm>>
          tpu.enqueue_indirect_dma source(%dma_start3A_122 : memref<10000x128xf32, #tpu.memory_space<hbm>>) target(%arg11 : memref<128x128xf32, #tpu.memory_space<vmem>>) offsets(%dma_start3A_119 : memref<128xi32, #tpu.memory_space<vmem>>) semaphore(%arg15 : memref<!tpu.dma_semaphore, #tpu.memory_space<semaphore_mem>>)
          %add3A_123 = arith.constant 2 : i32
          %add3A_124 = arith.addi %add3A_88, %add3A_123 : i32
          %add3A_125 = arith.addi %mul3A_2, %add3A_124 : i32
          %dma_start3A_126 = arith.constant 0 : i32
          %dma_start3A_127 = tpu.memref_slice %arg3[%add3A_125, %dma_start3A_126] : memref<1280x128xi32, #tpu.memory_space<hbm>> -> memref<1x128xi32, #tpu.memory_space<hbm>>
          %dma_start3A_128 = tpu.memref_squeeze %dma_start3A_127 : memref<1x128xi32, #tpu.memory_space<hbm>> -> memref<128xi32, #tpu.memory_space<hbm>>
          %dma_start3A_129 = arith.constant 0 : i32
          %dma_start3A_130 = tpu.memref_slice %arg3[%add3A_125, %dma_start3A_129] : memref<1280x128xi32, #tpu.memory_space<hbm>> -> memref<1x128xi32, #tpu.memory_space<hbm>>
          %dma_start3A_131 = tpu.memref_squeeze %dma_start3A_130 : memref<1x128xi32, #tpu.memory_space<hbm>> -> memref<128xi32, #tpu.memory_space<hbm>>
          tpu.enqueue_dma source(%dma_start3A_131 : memref<128xi32, #tpu.memory_space<hbm>>) target(%arg13 : memref<128xi32, #tpu.memory_space<vmem>>) target_semaphore(%arg19 : memref<!tpu.dma_semaphore, #tpu.memory_space<semaphore_mem>>)
        } else {
        }
      }
      %scan3A_52 = arith.constant 40 : i32
      %dma_wait3A = arith.constant 0 : i32
      %dma_wait3A_53 = arith.constant 0 : i32
      %dma_wait3A_54 = tpu.memref_slice %arg20[%dma_wait3A, %dma_wait3A_53] : memref<10112x128xf32, #tpu.memory_space<vmem_shared>> -> memref<10112x128xf32, #tpu.memory_space<vmem_shared>>
      tpu.wait_indirect_dma semaphore(%arg16 : memref<!tpu.dma_semaphore, #tpu.memory_space<semaphore_mem>>) src(%arg10 : memref<128x128xf32, #tpu.memory_space<vmem>>) dst(%dma_wait3A_54 : memref<10112x128xf32, #tpu.memory_space<vmem_shared>>)
      %dma_wait3A_55 = arith.constant 0 : i32
      %dma_wait3A_56 = arith.constant 0 : i32
      %dma_wait3A_57 = tpu.memref_slice %arg20[%dma_wait3A_55, %dma_wait3A_56] : memref<10112x128xf32, #tpu.memory_space<vmem_shared>> -> memref<10112x128xf32, #tpu.memory_space<vmem_shared>>
      tpu.wait_indirect_dma semaphore(%arg17 : memref<!tpu.dma_semaphore, #tpu.memory_space<semaphore_mem>>) src(%arg11 : memref<128x128xf32, #tpu.memory_space<vmem>>) dst(%dma_wait3A_57 : memref<10112x128xf32, #tpu.memory_space<vmem_shared>>)
    } else {
    }
    %barrier3A_10 = arith.constant 0 : index
    tpu.barrier barrier_id(%barrier3A_10)
    %eq3A_11 = arith.constant 0 : i32
    %eq3A_12 = arith.cmpi eq, %arg0, %eq3A_11 : i32
    %convert_element_type3A_13 = arith.extui %eq3A_12 : i1 to i32
    %cond3A_14 = arith.constant 0 : i32
    %cond3A_15 = arith.cmpi ne, %convert_element_type3A_13, %cond3A_14 : i32
    scf.if %cond3A_15 {
      "tpu.region"() ({
        %run_scoped3A = tpu.sem_alloc : memref<!tpu.dma_semaphore, #tpu.memory_space<semaphore_mem>>
        %dma_start3A = arith.constant 0 : i32
        %dma_start3A_21 = tpu.memref_slice %arg7[%mul3A_0, %dma_start3A] : memref<10112x128xf32, #tpu.memory_space<hbm>> -> memref<632x128xf32, #tpu.memory_space<hbm>>
        %dma_start3A_22 = arith.constant 0 : i32
        %dma_start3A_23 = tpu.memref_slice %arg20[%mul3A_0, %dma_start3A_22] : memref<10112x128xf32, #tpu.memory_space<vmem_shared>> -> memref<632x128xf32, #tpu.memory_space<vmem_shared>>
        tpu.enqueue_dma source(%dma_start3A_23 : memref<632x128xf32, #tpu.memory_space<vmem_shared>>) target(%dma_start3A_21 : memref<632x128xf32, #tpu.memory_space<hbm>>) target_semaphore(%run_scoped3A : memref<!tpu.dma_semaphore, #tpu.memory_space<semaphore_mem>>)
        %dma_wait3A = arith.constant 0 : i32
        %dma_wait3A_24 = tpu.memref_slice %arg7[%mul3A_0, %dma_wait3A] : memref<10112x128xf32, #tpu.memory_space<hbm>> -> memref<632x128xf32, #tpu.memory_space<hbm>>
        %dma_wait3A_25 = arith.constant 0 : i32
        %dma_wait3A_26 = tpu.memref_slice %arg20[%mul3A_0, %dma_wait3A_25] : memref<10112x128xf32, #tpu.memory_space<vmem_shared>> -> memref<632x128xf32, #tpu.memory_space<vmem_shared>>
        tpu.wait_dma2 semaphore(%run_scoped3A : memref<!tpu.dma_semaphore, #tpu.memory_space<semaphore_mem>>) src(%dma_wait3A_26 : memref<632x128xf32, #tpu.memory_space<vmem_shared>>) dst(%dma_wait3A_24 : memref<632x128xf32, #tpu.memory_space<hbm>>)
        tpu.yield
      }) : () -> ()
    } else {
    }
    %eq3A_16 = arith.constant 1 : i32
    %eq3A_17 = arith.cmpi eq, %arg0, %eq3A_16 : i32
    %convert_element_type3A_18 = arith.extui %eq3A_17 : i1 to i32
    %cond3A_19 = arith.constant 0 : i32
    %cond3A_20 = arith.cmpi ne, %convert_element_type3A_18, %cond3A_19 : i32
    scf.if %cond3A_20 {
      "tpu.region"() ({
        %run_scoped3A = tpu.sem_alloc : memref<!tpu.dma_semaphore, #tpu.memory_space<semaphore_mem>>
        %dma_start3A = arith.constant 0 : i32
        %dma_start3A_21 = tpu.memref_slice %arg8[%mul3A_0, %dma_start3A] : memref<10112x128xf32, #tpu.memory_space<hbm>> -> memref<632x128xf32, #tpu.memory_space<hbm>>
        %dma_start3A_22 = arith.constant 0 : i32
        %dma_start3A_23 = tpu.memref_slice %arg20[%mul3A_0, %dma_start3A_22] : memref<10112x128xf32, #tpu.memory_space<vmem_shared>> -> memref<632x128xf32, #tpu.memory_space<vmem_shared>>
        tpu.enqueue_dma source(%dma_start3A_23 : memref<632x128xf32, #tpu.memory_space<vmem_shared>>) target(%dma_start3A_21 : memref<632x128xf32, #tpu.memory_space<hbm>>) target_semaphore(%run_scoped3A : memref<!tpu.dma_semaphore, #tpu.memory_space<semaphore_mem>>)
        %dma_wait3A = arith.constant 0 : i32
        %dma_wait3A_24 = tpu.memref_slice %arg8[%mul3A_0, %dma_wait3A] : memref<10112x128xf32, #tpu.memory_space<hbm>> -> memref<632x128xf32, #tpu.memory_space<hbm>>
        %dma_wait3A_25 = arith.constant 0 : i32
        %dma_wait3A_26 = tpu.memref_slice %arg20[%mul3A_0, %dma_wait3A_25] : memref<10112x128xf32, #tpu.memory_space<vmem_shared>> -> memref<632x128xf32, #tpu.memory_space<vmem_shared>>
        tpu.wait_dma2 semaphore(%run_scoped3A : memref<!tpu.dma_semaphore, #tpu.memory_space<semaphore_mem>>) src(%dma_wait3A_26 : memref<632x128xf32, #tpu.memory_space<vmem_shared>>) dst(%dma_wait3A_24 : memref<632x128xf32, #tpu.memory_space<hbm>>)
        tpu.yield
      }) : () -> ()
    } else {
    }
    return
  }
}

module attributes {stable_mosaic.version = 14 : i64} {
  func.func @body(%arg0: i32, %arg1: memref<2000x256xf32, #tpu.memory_space<vmem>>, %arg2: memref<256x256xf32, #tpu.memory_space<vmem>>, %arg3: memref<2000x256xf32, #tpu.memory_space<vmem>>) attributes {dimension_semantics = [#tpu.dimension_semantics<arbitrary>], iteration_bounds = array<i64: 5>, scalar_prefetch = 0 : i64, scratch_operands = 0 : i64, tpu.core_type = #tpu.core_type<tc>, window_params = [{transform_indices = @transform_0, window_bounds = array<i64: 2000, 256>}, {pipeline_mode = #tpu.pipeline_mode<synchronous>, transform_indices = @transform_1, window_bounds = array<i64: 256, 256>}, {transform_indices = @transform_2, window_bounds = array<i64: 2000, 256>}]} {
    %get3A = arith.constant 0 : index
    %get3A_0 = arith.constant 0 : index
    %get3A_1 = vector.load %arg1[%get3A, %get3A_0] : memref<2000x256xf32, #tpu.memory_space<vmem>>, vector<2000x256xf32>
    %get3A_2 = arith.constant 0 : index
    %get3A_3 = arith.constant 0 : index
    %get3A_4 = vector.load %arg2[%get3A_2, %get3A_3] : memref<256x256xf32, #tpu.memory_space<vmem>>, vector<256x256xf32>
    %dot_general3A = arith.constant dense<0.000000e+00> : vector<2000x256xf32>
    %dot_general3A_5 = tpu.matmul %get3A_1, %get3A_4, %dot_general3A {dimension_numbers = #tpu.dot_dimension_numbers<[1], [0], [0], [1], [0, 0, 1, 1], [], []>, transpose_lhs_hint = false} : vector<2000x256xf32>, vector<256x256xf32>, vector<2000x256xf32> -> vector<2000x256xf32>
    %swap3A = arith.constant 0 : index
    %swap3A_6 = arith.constant 0 : index
    %swap3A_7 = vector.load %arg3[%swap3A, %swap3A_6] : memref<2000x256xf32, #tpu.memory_space<vmem>>, vector<2000x256xf32>
    tpu.vector_store %arg3[%swap3A, %swap3A_6], %dot_general3A_5 {strides = array<i32>} : memref<2000x256xf32, #tpu.memory_space<vmem>>, vector<2000x256xf32>,
    return
  }
  func.func @transform_0(%arg0: i32) -> (i32, i32) {
    %c0_i32 = arith.constant 0 : i32
    %c0_i32_0 = arith.constant 0 : i32
    return %arg0, %c0_i32 : i32, i32
  }
  func.func @transform_1(%arg0: i32) -> (i32, i32) {
    %c0_i32 = arith.constant 0 : i32
    %c0_i32_0 = arith.constant 0 : i32
    %c0_i32_1 = arith.constant 0 : i32
    return %c0_i32, %c0_i32_0 : i32, i32
  }
  func.func @transform_2(%arg0: i32) -> (i32, i32) {
    %c0_i32 = arith.constant 0 : i32
    %c0_i32_0 = arith.constant 0 : i32
    return %arg0, %c0_i32 : i32, i32
  }
}

module attributes {stable_mosaic.version = 14 : i64} {
  func.func @body(%arg0: i32, %arg1: memref<2000x256xf32, #tpu.memory_space<vmem>>, %arg2: memref<2000x128xf32, #tpu.memory_space<vmem>>, %arg3: memref<2000x128xf32, #tpu.memory_space<vmem>>, %arg4: memref<2000x128xf32, #tpu.memory_space<vmem>>, %arg5: memref<2000x128xf32, #tpu.memory_space<vmem>>) attributes {dimension_semantics = [#tpu.dimension_semantics<arbitrary>], iteration_bounds = array<i64: 5>, scalar_prefetch = 0 : i64, scratch_operands = 0 : i64, tpu.core_type = #tpu.core_type<tc>, window_params = [{transform_indices = @transform_0, window_bounds = array<i64: 2000, 256>}, {transform_indices = @transform_1, window_bounds = array<i64: 2000, 128>}, {transform_indices = @transform_2, window_bounds = array<i64: 2000, 128>}, {transform_indices = @transform_3, window_bounds = array<i64: 2000, 128>}, {transform_indices = @transform_4, window_bounds = array<i64: 2000, 128>}]} {
    %get3A = arith.constant 0 : index
    %get3A_0 = arith.constant 0 : index
    %get3A_1 = vector.load %arg2[%get3A, %get3A_0] : memref<2000x128xf32, #tpu.memory_space<vmem>>, vector<2000x1xf32>
    %add3A = arith.constant 1.000000e+00 : f32
    %add3A_2 = vector.broadcast %add3A : f32 to vector<2000x1xf32>
    %add3A_3 = arith.addf %add3A_2, %get3A_1 : vector<2000x1xf32>
    %get3A_4 = arith.constant 0 : index
    %get3A_5 = arith.constant 0 : index
    %get3A_6 = vector.load %arg3[%get3A_4, %get3A_5] : memref<2000x128xf32, #tpu.memory_space<vmem>>, vector<2000x1xf32>
    %add3A_7 = arith.addf %add3A_3, %get3A_6 : vector<2000x1xf32>
    %rsqrt3A = math.rsqrt %add3A_7 : vector<2000x1xf32>
    %get3A_8 = arith.constant 0 : index
    %get3A_9 = arith.constant 0 : index
    %get3A_10 = vector.load %arg1[%get3A_8, %get3A_9] : memref<2000x256xf32, #tpu.memory_space<vmem>>, vector<2000x256xf32>
    %mul3A = vector.broadcast %rsqrt3A : vector<2000x1xf32> to vector<2000x256xf32>
    %mul3A_11 = arith.mulf %get3A_10, %mul3A : vector<2000x256xf32>
    %slice3A = vector.extract_strided_slice %mul3A_11 {offsets = [0, 0], sizes = [2000, 128], strides = [1, 1]} : vector<2000x256xf32> to vector<2000x128xf32>
    %swap3A = arith.constant 0 : index
    %swap3A_12 = arith.constant 0 : index
    %swap3A_13 = vector.load %arg4[%swap3A, %swap3A_12] : memref<2000x128xf32, #tpu.memory_space<vmem>>, vector<2000x128xf32>
    tpu.vector_store %arg4[%swap3A, %swap3A_12], %slice3A {strides = array<i32>} : memref<2000x128xf32, #tpu.memory_space<vmem>>, vector<2000x128xf32>,
    %slice3A_14 = vector.extract_strided_slice %mul3A_11 {offsets = [0, 128], sizes = [2000, 128], strides = [1, 1]} : vector<2000x256xf32> to vector<2000x128xf32>
    %swap3A_15 = arith.constant 0 : index
    %swap3A_16 = arith.constant 0 : index
    %swap3A_17 = vector.load %arg5[%swap3A_15, %swap3A_16] : memref<2000x128xf32, #tpu.memory_space<vmem>>, vector<2000x128xf32>
    tpu.vector_store %arg5[%swap3A_15, %swap3A_16], %slice3A_14 {strides = array<i32>} : memref<2000x128xf32, #tpu.memory_space<vmem>>, vector<2000x128xf32>,
    return
  }
  func.func @transform_0(%arg0: i32) -> (i32, i32) {
    %c0_i32 = arith.constant 0 : i32
    %c0_i32_0 = arith.constant 0 : i32
    return %arg0, %c0_i32 : i32, i32
  }
  func.func @transform_1(%arg0: i32) -> (i32, i32) {
    %c0_i32 = arith.constant 0 : i32
    %c0_i32_0 = arith.constant 0 : i32
    return %arg0, %c0_i32 : i32, i32
  }
  func.func @transform_2(%arg0: i32) -> (i32, i32) {
    %c0_i32 = arith.constant 0 : i32
    %c0_i32_0 = arith.constant 0 : i32
    return %arg0, %c0_i32 : i32, i32
  }
  func.func @transform_3(%arg0: i32) -> (i32, i32) {
    %c0_i32 = arith.constant 0 : i32
    %c0_i32_0 = arith.constant 0 : i32
    return %arg0, %c0_i32 : i32, i32
  }
  func.func @transform_4(%arg0: i32) -> (i32, i32) {
    %c0_i32 = arith.constant 0 : i32
    %c0_i32_0 = arith.constant 0 : i32
    return %arg0, %c0_i32 : i32, i32
  }
}

module attributes {stable_mosaic.version = 14 : i64} {
  func.func @body(%arg0: i32, %arg1: memref<2000x128xf32, #tpu.memory_space<vmem>>, %arg2: memref<2000x128xf32, #tpu.memory_space<vmem>>, %arg3: memref<2000x128xf32, #tpu.memory_space<vmem>>, %arg4: memref<2000x128xf32, #tpu.memory_space<vmem>>, %arg5: memref<2000x128xf32, #tpu.memory_space<vmem>>, %arg6: memref<2000x128xf32, #tpu.memory_space<vmem>>, %arg7: memref<1x256xf32, #tpu.memory_space<vmem>>, %arg8: memref<256x256xf32, #tpu.memory_space<vmem>>, %arg9: memref<2000x128xf32, #tpu.memory_space<vmem>>, %arg10: memref<2000x128xf32, #tpu.memory_space<vmem>>) attributes {dimension_semantics = [#tpu.dimension_semantics<arbitrary>], iteration_bounds = array<i64: 5>, scalar_prefetch = 0 : i64, scratch_operands = 0 : i64, tpu.core_type = #tpu.core_type<tc>, window_params = [{transform_indices = @transform_0, window_bounds = array<i64: 2000, 128>}, {transform_indices = @transform_1, window_bounds = array<i64: 2000, 128>}, {transform_indices = @transform_2, window_bounds = array<i64: 2000, 128>}, {transform_indices = @transform_3, window_bounds = array<i64: 2000, 128>}, {transform_indices = @transform_4, window_bounds = array<i64: 2000, 128>}, {transform_indices = @transform_5, window_bounds = array<i64: 2000, 128>}, {pipeline_mode = #tpu.pipeline_mode<synchronous>, transform_indices = @transform_6, window_bounds = array<i64: 1, 256>}, {pipeline_mode = #tpu.pipeline_mode<synchronous>, transform_indices = @transform_7, window_bounds = array<i64: 256, 256>}, {transform_indices = @transform_8, window_bounds = array<i64: 2000, 128>}, {transform_indices = @transform_9, window_bounds = array<i64: 2000, 128>}]} {
    %get3A = arith.constant 0 : index
    %get3A_0 = arith.constant 0 : index
    %get3A_1 = vector.load %arg5[%get3A, %get3A_0] : memref<2000x128xf32, #tpu.memory_space<vmem>>, vector<2000x1xf32>
    %add3A = arith.constant 1.000000e+00 : f32
    %add3A_2 = vector.broadcast %add3A : f32 to vector<2000x1xf32>
    %add3A_3 = arith.addf %add3A_2, %get3A_1 : vector<2000x1xf32>
    %get3A_4 = arith.constant 0 : index
    %get3A_5 = arith.constant 0 : index
    %get3A_6 = vector.load %arg6[%get3A_4, %get3A_5] : memref<2000x128xf32, #tpu.memory_space<vmem>>, vector<2000x1xf32>
    %add3A_7 = arith.addf %add3A_3, %get3A_6 : vector<2000x1xf32>
    %rsqrt3A = math.rsqrt %add3A_7 : vector<2000x1xf32>
    %get3A_8 = arith.constant 0 : index
    %get3A_9 = arith.constant 0 : index
    %get3A_10 = vector.load %arg7[%get3A_8, %get3A_9] : memref<1x256xf32, #tpu.memory_space<vmem>>, vector<1x256xf32>
    %get3A_11 = arith.constant 0 : index
    %get3A_12 = arith.constant 0 : index
    %get3A_13 = vector.load %arg1[%get3A_11, %get3A_12] : memref<2000x128xf32, #tpu.memory_space<vmem>>, vector<2000x128xf32>
    %get3A_14 = arith.constant 0 : index
    %get3A_15 = arith.constant 0 : index
    %get3A_16 = vector.load %arg3[%get3A_14, %get3A_15] : memref<2000x128xf32, #tpu.memory_space<vmem>>, vector<2000x128xf32>
    %add3A_17 = arith.addf %get3A_13, %get3A_16 : vector<2000x128xf32>
    %mul3A = vector.broadcast %rsqrt3A : vector<2000x1xf32> to vector<2000x128xf32>
    %mul3A_18 = arith.mulf %add3A_17, %mul3A : vector<2000x128xf32>
    %slice3A = vector.extract_strided_slice %get3A_10 {offsets = [0, 0], sizes = [1, 128], strides = [1, 1]} : vector<1x256xf32> to vector<1x128xf32>
    %add3A_19 = vector.broadcast %slice3A : vector<1x128xf32> to vector<2000x128xf32>
    %add3A_20 = arith.addf %mul3A_18, %add3A_19 : vector<2000x128xf32>
    %get3A_21 = arith.constant 0 : index
    %get3A_22 = arith.constant 0 : index
    %get3A_23 = vector.load %arg2[%get3A_21, %get3A_22] : memref<2000x128xf32, #tpu.memory_space<vmem>>, vector<2000x128xf32>
    %get3A_24 = arith.constant 0 : index
    %get3A_25 = arith.constant 0 : index
    %get3A_26 = vector.load %arg4[%get3A_24, %get3A_25] : memref<2000x128xf32, #tpu.memory_space<vmem>>, vector<2000x128xf32>
    %add3A_27 = arith.addf %get3A_23, %get3A_26 : vector<2000x128xf32>
    %mul3A_28 = vector.broadcast %rsqrt3A : vector<2000x1xf32> to vector<2000x128xf32>
    %mul3A_29 = arith.mulf %add3A_27, %mul3A_28 : vector<2000x128xf32>
    %slice3A_30 = vector.extract_strided_slice %get3A_10 {offsets = [0, 128], sizes = [1, 128], strides = [1, 1]} : vector<1x256xf32> to vector<1x128xf32>
    %add3A_31 = vector.broadcast %slice3A_30 : vector<1x128xf32> to vector<2000x128xf32>
    %add3A_32 = arith.addf %mul3A_29, %add3A_31 : vector<2000x128xf32>
    %concatenate3A = tpu.concatenate %add3A_20, %add3A_32 in 1 : vector<2000x128xf32>, vector<2000x128xf32> -> vector<2000x256xf32>
    %max3A = arith.constant 0.000000e+00 : f32
    %max3A_33 = vector.broadcast %max3A : f32 to vector<2000x256xf32>
    %max3A_34 = arith.maximumf %concatenate3A, %max3A_33 : vector<2000x256xf32>
    %get3A_35 = arith.constant 0 : index
    %get3A_36 = arith.constant 0 : index
    %get3A_37 = vector.load %arg8[%get3A_35, %get3A_36] : memref<256x256xf32, #tpu.memory_space<vmem>>, vector<256x256xf32>
    %dot_general3A = arith.constant dense<0.000000e+00> : vector<2000x256xf32>
    %dot_general3A_38 = tpu.matmul %max3A_34, %get3A_37, %dot_general3A {dimension_numbers = #tpu.dot_dimension_numbers<[1], [0], [0], [1], [0, 0, 1, 1], [], []>, transpose_lhs_hint = false} : vector<2000x256xf32>, vector<256x256xf32>, vector<2000x256xf32> -> vector<2000x256xf32>
    %mul3A_39 = vector.broadcast %rsqrt3A : vector<2000x1xf32> to vector<2000x256xf32>
    %mul3A_40 = arith.mulf %dot_general3A_38, %mul3A_39 : vector<2000x256xf32>
    %slice3A_41 = vector.extract_strided_slice %mul3A_40 {offsets = [0, 0], sizes = [2000, 128], strides = [1, 1]} : vector<2000x256xf32> to vector<2000x128xf32>
    %swap3A = arith.constant 0 : index
    %swap3A_42 = arith.constant 0 : index
    %swap3A_43 = vector.load %arg9[%swap3A, %swap3A_42] : memref<2000x128xf32, #tpu.memory_space<vmem>>, vector<2000x128xf32>
    tpu.vector_store %arg9[%swap3A, %swap3A_42], %slice3A_41 {strides = array<i32>} : memref<2000x128xf32, #tpu.memory_space<vmem>>, vector<2000x128xf32>,
    %slice3A_44 = vector.extract_strided_slice %mul3A_40 {offsets = [0, 128], sizes = [2000, 128], strides = [1, 1]} : vector<2000x256xf32> to vector<2000x128xf32>
    %swap3A_45 = arith.constant 0 : index
    %swap3A_46 = arith.constant 0 : index
    %swap3A_47 = vector.load %arg10[%swap3A_45, %swap3A_46] : memref<2000x128xf32, #tpu.memory_space<vmem>>, vector<2000x128xf32>
    tpu.vector_store %arg10[%swap3A_45, %swap3A_46], %slice3A_44 {strides = array<i32>} : memref<2000x128xf32, #tpu.memory_space<vmem>>, vector<2000x128xf32>,
    return
  }
  func.func @transform_0(%arg0: i32) -> (i32, i32) {
    %c0_i32 = arith.constant 0 : i32
    %c0_i32_0 = arith.constant 0 : i32
    return %arg0, %c0_i32 : i32, i32
  }
  func.func @transform_1(%arg0: i32) -> (i32, i32) {
    %c0_i32 = arith.constant 0 : i32
    %c0_i32_0 = arith.constant 0 : i32
    return %arg0, %c0_i32 : i32, i32
  }
  func.func @transform_2(%arg0: i32) -> (i32, i32) {
    %c0_i32 = arith.constant 0 : i32
    %c0_i32_0 = arith.constant 0 : i32
    return %arg0, %c0_i32 : i32, i32
  }
  func.func @transform_3(%arg0: i32) -> (i32, i32) {
    %c0_i32 = arith.constant 0 : i32
    %c0_i32_0 = arith.constant 0 : i32
    return %arg0, %c0_i32 : i32, i32
  }
  func.func @transform_4(%arg0: i32) -> (i32, i32) {
    %c0_i32 = arith.constant 0 : i32
    %c0_i32_0 = arith.constant 0 : i32
    return %arg0, %c0_i32 : i32, i32
  }
  func.func @transform_5(%arg0: i32) -> (i32, i32) {
    %c0_i32 = arith.constant 0 : i32
    %c0_i32_0 = arith.constant 0 : i32
    return %arg0, %c0_i32 : i32, i32
  }
  func.func @transform_6(%arg0: i32) -> (i32, i32) {
    %c0_i32 = arith.constant 0 : i32
    %c0_i32_0 = arith.constant 0 : i32
    %c0_i32_1 = arith.constant 0 : i32
    return %c0_i32, %c0_i32_0 : i32, i32
  }
  func.func @transform_7(%arg0: i32) -> (i32, i32) {
    %c0_i32 = arith.constant 0 : i32
    %c0_i32_0 = arith.constant 0 : i32
    %c0_i32_1 = arith.constant 0 : i32
    return %c0_i32, %c0_i32_0 : i32, i32
  }
  func.func @transform_8(%arg0: i32) -> (i32, i32) {
    %c0_i32 = arith.constant 0 : i32
    %c0_i32_0 = arith.constant 0 : i32
    return %arg0, %c0_i32 : i32, i32
  }
  func.func @transform_9(%arg0: i32) -> (i32, i32) {
    %c0_i32 = arith.constant 0 : i32
    %c0_i32_0 = arith.constant 0 : i32
    return %arg0, %c0_i32 : i32, i32
  }
}

module attributes {stable_mosaic.version = 14 : i64} {
  func.func @body(%arg0: i32, %arg1: memref<2000x128xf32, #tpu.memory_space<vmem>>, %arg2: memref<2000x128xf32, #tpu.memory_space<vmem>>, %arg3: memref<2000x128xf32, #tpu.memory_space<vmem>>, %arg4: memref<2000x128xf32, #tpu.memory_space<vmem>>, %arg5: memref<2000x128xf32, #tpu.memory_space<vmem>>, %arg6: memref<2000x128xf32, #tpu.memory_space<vmem>>, %arg7: memref<1x256xf32, #tpu.memory_space<vmem>>, %arg8: memref<2000x256xf32, #tpu.memory_space<vmem>>) attributes {dimension_semantics = [#tpu.dimension_semantics<arbitrary>], iteration_bounds = array<i64: 5>, scalar_prefetch = 0 : i64, scratch_operands = 0 : i64, tpu.core_type = #tpu.core_type<tc>, window_params = [{transform_indices = @transform_0, window_bounds = array<i64: 2000, 128>}, {transform_indices = @transform_1, window_bounds = array<i64: 2000, 128>}, {transform_indices = @transform_2, window_bounds = array<i64: 2000, 128>}, {transform_indices = @transform_3, window_bounds = array<i64: 2000, 128>}, {transform_indices = @transform_4, window_bounds = array<i64: 2000, 128>}, {transform_indices = @transform_5, window_bounds = array<i64: 2000, 128>}, {pipeline_mode = #tpu.pipeline_mode<synchronous>, transform_indices = @transform_6, window_bounds = array<i64: 1, 256>}, {transform_indices = @transform_7, window_bounds = array<i64: 2000, 256>}]} {
    %get3A = arith.constant 0 : index
    %get3A_0 = arith.constant 0 : index
    %get3A_1 = vector.load %arg5[%get3A, %get3A_0] : memref<2000x128xf32, #tpu.memory_space<vmem>>, vector<2000x1xf32>
    %add3A = arith.constant 1.000000e+00 : f32
    %add3A_2 = vector.broadcast %add3A : f32 to vector<2000x1xf32>
    %add3A_3 = arith.addf %add3A_2, %get3A_1 : vector<2000x1xf32>
    %get3A_4 = arith.constant 0 : index
    %get3A_5 = arith.constant 0 : index
    %get3A_6 = vector.load %arg6[%get3A_4, %get3A_5] : memref<2000x128xf32, #tpu.memory_space<vmem>>, vector<2000x1xf32>
    %add3A_7 = arith.addf %add3A_3, %get3A_6 : vector<2000x1xf32>
    %rsqrt3A = math.rsqrt %add3A_7 : vector<2000x1xf32>
    %get3A_8 = arith.constant 0 : index
    %get3A_9 = arith.constant 0 : index
    %get3A_10 = vector.load %arg7[%get3A_8, %get3A_9] : memref<1x256xf32, #tpu.memory_space<vmem>>, vector<1x256xf32>
    %get3A_11 = arith.constant 0 : index
    %get3A_12 = arith.constant 0 : index
    %get3A_13 = vector.load %arg1[%get3A_11, %get3A_12] : memref<2000x128xf32, #tpu.memory_space<vmem>>, vector<2000x128xf32>
    %get3A_14 = arith.constant 0 : index
    %get3A_15 = arith.constant 0 : index
    %get3A_16 = vector.load %arg3[%get3A_14, %get3A_15] : memref<2000x128xf32, #tpu.memory_space<vmem>>, vector<2000x128xf32>
    %add3A_17 = arith.addf %get3A_13, %get3A_16 : vector<2000x128xf32>
    %mul3A = vector.broadcast %rsqrt3A : vector<2000x1xf32> to vector<2000x128xf32>
    %mul3A_18 = arith.mulf %add3A_17, %mul3A : vector<2000x128xf32>
    %slice3A = vector.extract_strided_slice %get3A_10 {offsets = [0, 0], sizes = [1, 128], strides = [1, 1]} : vector<1x256xf32> to vector<1x128xf32>
    %add3A_19 = vector.broadcast %slice3A : vector<1x128xf32> to vector<2000x128xf32>
    %add3A_20 = arith.addf %mul3A_18, %add3A_19 : vector<2000x128xf32>
    %get3A_21 = arith.constant 0 : index
    %get3A_22 = arith.constant 0 : index
    %get3A_23 = vector.load %arg2[%get3A_21, %get3A_22] : memref<2000x128xf32, #tpu.memory_space<vmem>>, vector<2000x128xf32>
    %get3A_24 = arith.constant 0 : index
    %get3A_25 = arith.constant 0 : index
    %get3A_26 = vector.load %arg4[%get3A_24, %get3A_25] : memref<2000x128xf32, #tpu.memory_space<vmem>>, vector<2000x128xf32>
    %add3A_27 = arith.addf %get3A_23, %get3A_26 : vector<2000x128xf32>
    %mul3A_28 = vector.broadcast %rsqrt3A : vector<2000x1xf32> to vector<2000x128xf32>
    %mul3A_29 = arith.mulf %add3A_27, %mul3A_28 : vector<2000x128xf32>
    %slice3A_30 = vector.extract_strided_slice %get3A_10 {offsets = [0, 128], sizes = [1, 128], strides = [1, 1]} : vector<1x256xf32> to vector<1x128xf32>
    %add3A_31 = vector.broadcast %slice3A_30 : vector<1x128xf32> to vector<2000x128xf32>
    %add3A_32 = arith.addf %mul3A_29, %add3A_31 : vector<2000x128xf32>
    %concatenate3A = tpu.concatenate %add3A_20, %add3A_32 in 1 : vector<2000x128xf32>, vector<2000x128xf32> -> vector<2000x256xf32>
    %swap3A = arith.constant 0 : index
    %swap3A_33 = arith.constant 0 : index
    %swap3A_34 = vector.load %arg8[%swap3A, %swap3A_33] : memref<2000x256xf32, #tpu.memory_space<vmem>>, vector<2000x256xf32>
    tpu.vector_store %arg8[%swap3A, %swap3A_33], %concatenate3A {strides = array<i32>} : memref<2000x256xf32, #tpu.memory_space<vmem>>, vector<2000x256xf32>,
    return
  }
  func.func @transform_0(%arg0: i32) -> (i32, i32) {
    %c0_i32 = arith.constant 0 : i32
    %c0_i32_0 = arith.constant 0 : i32
    return %arg0, %c0_i32 : i32, i32
  }
  func.func @transform_1(%arg0: i32) -> (i32, i32) {
    %c0_i32 = arith.constant 0 : i32
    %c0_i32_0 = arith.constant 0 : i32
    return %arg0, %c0_i32 : i32, i32
  }
  func.func @transform_2(%arg0: i32) -> (i32, i32) {
    %c0_i32 = arith.constant 0 : i32
    %c0_i32_0 = arith.constant 0 : i32
    return %arg0, %c0_i32 : i32, i32
  }
  func.func @transform_3(%arg0: i32) -> (i32, i32) {
    %c0_i32 = arith.constant 0 : i32
    %c0_i32_0 = arith.constant 0 : i32
    return %arg0, %c0_i32 : i32, i32
  }
  func.func @transform_4(%arg0: i32) -> (i32, i32) {
    %c0_i32 = arith.constant 0 : i32
    %c0_i32_0 = arith.constant 0 : i32
    return %arg0, %c0_i32 : i32, i32
  }
  func.func @transform_5(%arg0: i32) -> (i32, i32) {
    %c0_i32 = arith.constant 0 : i32
    %c0_i32_0 = arith.constant 0 : i32
    return %arg0, %c0_i32 : i32, i32
  }
  func.func @transform_6(%arg0: i32) -> (i32, i32) {
    %c0_i32 = arith.constant 0 : i32
    %c0_i32_0 = arith.constant 0 : i32
    %c0_i32_1 = arith.constant 0 : i32
    return %c0_i32, %c0_i32_0 : i32, i32
  }
  func.func @transform_7(%arg0: i32) -> (i32, i32) {
    %c0_i32 = arith.constant 0 : i32
    %c0_i32_0 = arith.constant 0 : i32
    return %arg0, %c0_i32 : i32, i32
  }
}

</mosaic_0001>

<sc_bundles>
// kernel: kernel.12.cloned.1.call-start
scs
__scs_entry_jumppad:
0x0: {  	(pc) =	sbr.rel $0x88, $3  }
0x1: {  	(tag) =	ssettag $0x0;
	lr =	simm.s32 $0x1  }
0x2: {  	[smem:$0x3F9B] =	sst lr;
	_ =	strace $0xD0000000  }
0x3: {  	_ = 	snop  }
0x4: {  	_ = 	snop  }
0x5: {  	_ = 	snop  }
0x6: {  	_ = 	snop  }
0x7: {  	_ = 	snop  }
__scs_overlays_trampoline_lowered:
0x8: {  	[smem:$0x3FAA] =	sst s0  }
0x9: {  	[smem:$0x3FAB] =	sst s1  }
0xa: {  	[smem:$0x3FAC] =	sst s2  }
0xb: {  	[smem:$0x3FAD] =	sst s3  }
0xc: {  	[smem:$0x3FAE] =	sst s4  }
0xd: {  	[smem:$0x3FAF] =	sst s5  }
0xe: {  	[smem:$0x3FB0] =	sst s6  }
0xf: {  	[smem:$0x3FB1] =	sst s7  }
0x10: {  	[smem:$0x3FB2] =	sst s8  }
0x11: {  	[smem:$0x3FB3] =	sst s9;
	s0 =	simm.s32 @!p0 $0x0  }
0x12: {  	s1 =	sld [smem:$0x3F99];
	s0 =	simm.s32 @p0 $0x1  }
0x13: {  	[smem:$0x3FB4] =	sst s0;
	s0 =	simm.s32 @!p1 $0x0  }
0x14: {  	s2 =	sld [smem:$0x3F98];
	s0 =	simm.s32 @p1 $0x1  }
0x15: {  	[smem:$0x3FB5] =	sst s0;
	s0 =	simm.s32 @!p2 $0x0  }
0x16: {  	s3 =	sld [smem:$0x3FDB];
	s0 =	simm.s32 @p2 $0x1  }
0x17: {  	s4 =	simm.s32 $0x1BF5;
	[smem:$0x3FB7] =	sst s0  }
0x18: {  	s0 =	sld [smem:$0x3F9A];
	_ =	swait.ge [sflag:s4], $0x0  }
0x19: {  	s7 =	sld [smem:$0x3F9B]  }
0x1a: {  	s8 =	sadd.s32 $0xFFFFE003, lr  }
0x1b: {  	s9 =	sadd.s32 $0xFFFFFEF7, lr;
	s5 =	simm.s32 $0xFFFFFFFF;
	p2 =	slt.u32 s8, $0xFFFFF086  }
0x1c: {  	p1 =	slt.u32 s9, $0xF7A;
	s5 =	simm.s32 @!p2 $0x0  }
0x1d: {  	s5 =	simm.s32 @p1 $0x1;
	p0 =	seq.s32 s7, s2  }
0x1e: {  	s7 =	smul.u32 @!p0 $0xF7A, s2;
	p2 =	seq.s32 @!p0 s5, $0x0  }
0x1f: {  	s9 =	smul.u32 $0xF7A, s1;
	s8 =	simm.s32 @!p0 $0x1BF5;
	p2 =	por !p2, p0  }
0x20: {  	[sflag:s8] =	ssyncset.s32 @!p0 $0xFFFFF086;
	s6 =	sadd.s32 @!p0 s3, s7;
	s7 =	simm.s32 @!p0 $0x108  }
0x21: {  	s3 =	sadd.s32 s3, s9;
	s6 =	sadd.s32 @!p0 $0x88, s6;
	s7 =	simm.s32 @p2 $0x1082  }
0x22: {  	[simem:s7], [sflag:s8] =	dma.local @!p0 [hbm:s6], $0xF7A  }
0x23: {  	s9 =	sor.u32 $0xD0000000, s2;
	s6 =	simm.s32 $0x108;
	_ =	swait.ge @!p0 [sflag:s8], $0x0  }
0x24: {  	s3 =	sadd.s32 $0x88, s3;
	s6 =	simm.s32 @!p1 $0x1082;
	[sflag:s4] =	ssyncset.s32 $0xFFFFF086  }
0x25: {  	[simem:s6], [sflag:s4] =	dma.local [hbm:s3], $0xF7A  }
0x26: {  	[smem:$0x3F9B] =	sst s1;
	(tag) =	ssettag s2;
	_ =	strace s9  }
0x27: {  	s1 =	sld [smem:$0x3FAB]  }
0x28: {  	s2 =	sld [smem:$0x3FAC]  }
0x29: {  	s4 =	sld [smem:$0x3FAE]  }
0x2a: {  	p0 =	seq.s32 s5, $0x0;
	s5 =	sld [smem:$0x3FAF]  }
0x2b: {  	s6 =	sld [smem:$0x3FB0]  }
0x2c: {  	s7 =	sld [smem:$0x3FB1]  }
0x2d: {  	s3 =	simm.s32 $0x108;
	s8 =	sld [smem:$0x3FB2]  }
0x2e: {  	s3 =	simm.s32 @!p0 $0x1082;
	s9 =	sld [smem:$0x3FB3]  }
0x2f: {  	lr =	sadd.s32 s0, s3;
	s0 =	sld [smem:$0x3FAA]  }
0x30: {  	s3 =	sld [smem:$0x3FAD]  }
0x31: {  	[smem:$0x3FB6] =	sst s10  }
0x32: {  	s10 =	sld [smem:$0x3FB4];
	_ =	sdelay $0x3  }
0x33: {  	p0 =	seq.s32 s10, $0x1;
	s10 =	sld [smem:$0x3FB6];
	_ =	sdelay $0x3  }
0x34: {  	[smem:$0x3FB6] =	sst s10  }
0x35: {  	s10 =	sld [smem:$0x3FB5];
	_ =	sdelay $0x3  }
0x36: {  	p1 =	seq.s32 s10, $0x1;
	s10 =	sld [smem:$0x3FB6];
	_ =	sdelay $0x3  }
0x37: {  	[smem:$0x3FB6] =	sst s10  }
0x38: {  	s10 =	sld [smem:$0x3FB7]  }
0x39: {  	_ = 	snop;
	(pc) =	sbr.ind lr, $3  }
0x3a: {  	_ = 	snop  }
0x3b: {  	_ = 	snop  }
0x3c: {  	p2 =	seq.s32 s10, $0x1;
	s10 =	sld [smem:$0x3FB6]  }
0x3d: {  	_ =	shalt  }
0x3e: {  	_ =	shalt  }
0x3f: {  	_ =	shalt  }
0x40: {  	_ =	shalt  }
0x41: {  	_ =	shalt  }
0x42: {  	_ =	shalt  }
0x43: {  	_ =	shalt  }
0x44: {  	_ =	shalt  }
0x45: {  	_ =	shalt  }
0x46: {  	_ =	shalt  }
0x47: {  	_ =	shalt  }
0x48: {  	_ =	shalt  }
0x49: {  	_ =	shalt  }
0x4a: {  	_ =	shalt  }
0x4b: {  	_ =	shalt  }
0x4c: {  	_ =	shalt  }
0x4d: {  	_ =	shalt  }
0x4e: {  	_ =	shalt  }
0x4f: {  	_ =	shalt  }
0x50: {  	_ =	shalt  }
0x51: {  	_ =	shalt  }
0x52: {  	_ =	shalt  }
0x53: {  	_ =	shalt  }
0x54: {  	_ =	shalt  }
0x55: {  	_ =	shalt  }
0x56: {  	_ =	shalt  }
0x57: {  	_ =	shalt  }
0x58: {  	_ =	shalt  }
0x59: {  	_ =	shalt  }
0x5a: {  	_ =	shalt  }
0x5b: {  	_ =	shalt  }
0x5c: {  	_ =	shalt  }
0x5d: {  	_ =	shalt  }
0x5e: {  	_ =	shalt  }
0x5f: {  	_ =	shalt  }
0x60: {  	_ =	shalt  }
0x61: {  	_ =	shalt  }
0x62: {  	_ =	shalt  }
0x63: {  	_ =	shalt  }
0x64: {  	_ =	shalt  }
0x65: {  	_ =	shalt  }
0x66: {  	_ =	shalt  }
0x67: {  	_ =	shalt  }
0x68: {  	_ =	shalt  }
0x69: {  	_ =	shalt  }
0x6a: {  	_ =	shalt  }
0x6b: {  	_ =	shalt  }
0x6c: {  	_ =	shalt  }
0x6d: {  	_ =	shalt  }
0x6e: {  	_ =	shalt  }
0x6f: {  	_ =	shalt  }
0x70: {  	_ =	shalt  }
0x71: {  	_ =	shalt  }
0x72: {  	_ =	shalt  }
0x73: {  	_ =	shalt  }
0x74: {  	_ =	shalt  }
0x75: {  	_ =	shalt  }
0x76: {  	_ =	shalt  }
0x77: {  	_ =	shalt  }
0x78: {  	_ =	shalt  }
0x79: {  	_ =	shalt  }
0x7a: {  	_ =	shalt  }
0x7b: {  	_ =	shalt  }
0x7c: {  	_ =	shalt  }
0x7d: {  	_ =	shalt  }
0x7e: {  	_ =	shalt  }
0x7f: {  	_ =	shalt  }
0x80: {  	_ =	shalt  }
0x81: {  	_ =	shalt  }
0x82: {  	_ =	shalt  }
0x83: {  	_ =	shalt  }
0x84: {  	_ =	shalt  }
0x85: {  	_ =	shalt  }
0x86: {  	_ =	shalt  }
0x87: {  	_ =	shalt  }
.Lfunc_end0:
.L_simem_size_0:
called_computation.1_lowered:
.L_overlay_start_0:
0x88: {  	s2 =	sld [smem:$0x3FD9]  }
0x89: {  	s3 =	sld [smem:$0x3FFE];
	_ =	sdelay $0x1  }
0x8a: {  	s1 =	srdreg.scid  }
0x8b: {  	s0 =	sand.u32 $0x1, s1  }
0x8c: {  	s17 =	sshll.u32 s0, $0xA;
	s2 =	sadd.s32 s3, s2  }
0x8d: {  	s2 =	sadd.s32 s2, s17  }
0x8e: {  	[smem:$0x3FC2] =	sst s2  }
0x8f: {  	_ = 	snop  }
0x90: {  	s2 =	sld [smem:$0x3FD0];
	(tm) =	ssettm $0x1  }
0x91: {  	s18 =	sld [smem:$0x3FFB];
	_ =	sdelay $0x3  }
0x92: {  	_ =	strace s18  }
0x93: {  	s3 =	sld [smem:$0x3FFC];
	_ =	sdelay $0x3  }
0x94: {  	_ =	strace s3  }
0x95: {  	s3 =	sld [smem:$0x3FFD];
	_ =	sdelay $0x3  }
0x96: {  	_ =	strace s3  }
0x97: {  	_ =	strace $0x8FFFFFFF  }
0x98: {  	s19 =	sld [smem:$0x3FDB];
	_ =	sdelay $0x1  }
0x99: {  	s4 =	simm.s32 $_scs_section_size  }
0x9a: {  	s5 =	simm.s32 $_size__tile_overlayer_lowered;
	s6 =	simm.s32 $_tile_overlayer_lowered  }
0x9b: {  	s22 =	simm.s32 $0x1BFF;
	s21 =	sshll.u32 s6, $0x1;
	s3 =	sadd.s32 s4, s19  }
0x9c: {  	s7 =	simm.s32 $0x0;
	s20 =	sshll.u32 s5, $0x1;
	s5 =	sadd.s32 s21, s3  }
0x9d: {  	[timem:s7], [sflag:s22] =	dma.local [hbm:s5], s20  }
0x9e: {  	_ =	swait.ge [sflag:s22], s20  }
0x9f: {  	s4 =	ssub.s32 $0x0, s20;
	[sflag:s22] =	ssyncset.done $0x0  }
0xa0: {  	[sflag:s22] =	ssyncadd.s32 s4;
	_ =	sdelay $0x1  }
0xa1: {  	s23 =	simm.s32 $0x1B8B  }
0xa2: {  	_ =	swait.ge [sflag:s23], $0x1  }
0xa3: {  	[sflag:s23] =	ssyncset.done $0x0  }
0xa4: {  	s25 =	simm.s32 $0x1B8E;
	s24 =	sld [smem:$0x3FFE];
	[sflag:s23] =	ssyncadd.s32 $0xFFFFFFFF  }
0xa5: {  	s26 =	simm.s32 $execute0_lowered;
	[smem:$0x3FD2] =	sst s25  }
0xa6: {  	s5 =	sshll.u32 s26, $0x1;
	_ =	strace $0x80000049;
	[dreg:$0x1] =	wrdreg $0xFFFFFFFF  }
0xa7: {  	s28 =	simm.s32 $_size_execute0_lowered;
	s3 =	sadd.s32 s3, s5;
	[dreg:$0x0] =	wrdreg $0x0  }
0xa8: {  	s5 =	sshll.u32 s28, $0x1;
	[dreg:$0x2] =	wrdreg s3  }
0xa9: {  	[dreg:$0x3] =	wrdreg s5  }
0xaa: {  	[dreg:$0x4] =	wrdreg $0xC0  }
0xab: {  	_ =	task [dreg:s7], $0x5FFFF  }
0xac: {  	[dreg:$0x1] =	wrdreg $0xFFFFFFFF  }
0xad: {  	[dreg:$0x0] =	wrdreg $0x60  }
0xae: {  	[dreg:$0x2] =	wrdreg s24  }
0xaf: {  	[dreg:$0x3] =	wrdreg s2  }
0xb0: {  	[dreg:$0x4] =	wrdreg $0xA9000  }
0xb1: {  	[dreg:$0x5] =	wrdreg $0x9  }
0xb2: {  	_ =	task.clear_ibuf [dreg:s7], $0x6FFFF;
	_ =	strace $0x90000049  }
0xb3: {  	s29 =	simm.s32 $0x9;
	_ =	strace $0x8000004B  }
0xb4: {  	_ =	swait.ge [sflag:s29], $0x1  }
0xb5: {  	[sflag:s29] =	ssyncadd.s32 $0xFFFFFFFF  }
0xb6: {  	_ =	strace $0x9000004B  }
0xb7: {  	_ =	sfence  }
0xb8: {  	s30 =	sld [smem:$0x0];
	_ =	sdelay $0x2  }
0xb9: {  	s31 =	sshll.u32 s1, $0xD;
	s1 =	sshrl.u32 s1, $0x2  }
0xba: {  	s3 =	sand.u32 $0x4000, s31;
	s1 =	sadd.s32 s1, s30  }
0xbb: {  	s0 =	sor.u32 s3, s0;
	s1 =	sshll.u32 s1, $0x11  }
0xbc: {  	s0 =	sor.u32 s1, s0  }
0xbd: {  	s0 =	sadd.s32 $0x8F2B, s0  }
0xbe: {  	[sflag:s0] =	ssyncadd.remote.s32 $0x1  }
0xbf: {  	_ =	sfence.sel $0xFFFF  }
0xc0: {  	[dreg:$0x0] =	wrdreg $0xFFFFFFFF;
	(pc) =	sbr.abs _section_cstart, $3  }
0xc1: {  	[dreg:$0x1] =	wrdreg $0xFFFFFFFF  }
0xc2: {  	_ =	task.clear_ibuf [dreg:s7], $0x2FFFF;
	_ =	strace $0x9FFFFFFF  }
0xc3: {  	(tm) =	ssettm $0x7FFFFFFF  }
tec
execute0_lowered:
.L_overlay_start_1:
0x0: {  	(tag) =	ssettag $0x1  }
0x1: {  	s0 =	rddreg [dreg:$0x0]  }
0x2: {  	s3 =	rddreg [dreg:$0x2];
	s4 =	simm.s32 $0x0  }
0x3: {  	s8 =	stileid.u32;
	s1 =	srdreg.scid;
	s16 =	simm.s32 $0x7  }
0x4: {  	s19 =	simm.s32 $0x80;
	s20 =	simm.s32 $0x2800;
	s21 =	simm.s32 $0xA800  }
0x5: {  	s22 =	simm.s32 $0x6800;
	s23 =	simm.s32 $0xA880;
	s28 =	simm.s32 $0x2  }
0x6: {  	s29 =	simm.s32 $0x6;
	s30 =	simm.s32 $0x4;
	s31 =	simm.s32 $0x0  }
0x7: {  	[smem:$0x7FF] =	sst s4;
	s5 =	smul.u32 $0x500, s8;
	s6 =	sadd.s32 $0x4200, s0  }
0x8: {  	s1 =	sand.u32 $0x1, s1;
	s7 =	sadd.s32 $0x85200, s0;
	s10 =	smul.u32 $0x2780, s8  }
0x9: {  	s9 =	sadd.s32 $0xAC400, s0;
	s13 =	smul.u32 $0x4F000, s8;
	s26 =	sshll.u32 s8, $0x6  }
0xa: {  	_ =	strace $0x8000004A;
	s11 =	ssub.s32 $0x2, s1;
	p0 =	sne.s32 s1, $0x0  }
0xb: {  	s17 =	sor.u32 $0x1C07, s26;
	s26 =	simm.s32 $0x3;
	s2 =	sadd.s32 s5, s0  }
0xc: {  	s12 =	sshrl.u32 s11, $0x1;
	[dreg:$0x4] =	wrdreg s10;
	s14 =	sadd.s32 s10, s0  }
.Ltmp0:
0xd: {  	s0 =	sadd.s32 $0xD3600, s0;
	s25 =	sshrl.u32 s13, $0x2;
	(pc) =	sbr.rel .LBB2_1-.Ltmp0, $4  }
0xe: {  	[dreg:$0x5] =	wrdreg s0;
	s24 =	ssub.s32 s11, s12;
	s2 =	sadd.s32 $0x9200, s2  }
0xf: {  	s12 =	sadd.s32 s6, s5;
	s13 =	sadd.s32 $0xEA00, s14;
	[dreg:$0x6] =	wrdreg s2  }
0x10: {  	s2 =	sadd.s32 s25, s3;
	s14 =	sadd.s32 $0x10, s12;
	s15 =	smax.u32 s24, $0x1  }
0x11: {  	s24 =	simm.s32 $0x1;
	s25 =	simm.s32 $0x5;
	s18 =	sshrl.u32 s2, $0x3  }
.LBB2_7:
0x12: {  	[tilespmem:s23], [sflag:$0x6] =	stream.linear.gather [hbm4b:s2+s4], $0x80, $0x38;
	[tilespmem:$0x1E500] =	vst v63  }
0x13: {  	s0 =	rddreg [dreg:$0x5]  }
.LBB2_8:
0x14: {  	_ =	swait.ge [sflag:s24], $0x4000  }
0x15: {  	[sflag:s24] =	ssyncset.done $0x0  }
0x16: {  	[sflag:s24] =	ssyncadd.s32 $0xFFFFC000  }
0x17: {  	_ =	swait.ge [sflag:s25], $0x80  }
0x18: {  	[sflag:s25] =	ssyncset.done $0x0  }
0x19: {  	[sflag:s25] =	ssyncadd.s32 $0xFFFFFF80  }
0x1a: {  	[spmem:s3] =	stream.indirect.scatter.add.f32 [tilespmem:s20], [sflag:$0x3], $0x80, s21, s19, $0xb8;
	[tilespmem:$0x1E500] =	vst v63  }
0x1b: {  	_ =	swait.ge [sflag:s28], $0x4000  }
0x1c: {  	[sflag:s28] =	ssyncset.done $0x0  }
0x1d: {  	[sflag:s28] =	ssyncadd.s32 $0xFFFFC000  }
0x1e: {  	_ =	swait.ge [sflag:s29], $0x80  }
0x1f: {  	[sflag:s29] =	ssyncset.done $0x0  }
0x20: {  	[sflag:s29] =	ssyncadd.s32 $0xFFFFFF80  }
0x21: {  	[spmem:s3] =	stream.indirect.scatter.add.f32 [tilespmem:s22], [sflag:$0x4], $0x80, s23, s19, $0xb8;
	[tilespmem:$0x1E500] =	vst v63  }
0x22: {  	_ =	swait.ge [sflag:s26], $0x4000  }
0x23: {  	[sflag:s26] =	ssyncset.done $0x0  }
0x24: {  	[sflag:s26] =	ssyncadd.s32 $0xFFFFC000  }
0x25: {  	_ =	swait.ge [sflag:s30], $0x4000  }
0x26: {  	s31 =	sadd.s32 $0x1, s31;
	[sflag:s30] =	ssyncset.done $0x0  }
0x27: {  	p1 =	sne.s32 s31, s15;
	s1 =	rddreg [dreg:$0x4];
	[sflag:s30] =	ssyncadd.s32 $0xFFFFC000  }
.Ltmp1:
0x28: {  	s0 =	sadd.s32 s0, s1;
	[bflag:$0x0] =	sbarrier.arrive $0xFFFF;
	(pc) =	sbr.rel @!p1 .LBB2_9-.Ltmp1, $4  }
0x29: {  	[hbm:s0], [sflag:s17] =	dma.local [spmem:s18], $0x2780  }
0x2a: {  	_ =	swait.ge [sflag:s16], $0x2780  }
0x2b: {  	[sflag:s16] =	ssyncset.done $0x0  }
0x2c: {  	[sflag:s16] =	ssyncadd.s32 $0xFFFFD880  }
.LBB2_1:
0x2d: {  	s0 =	rddreg [dreg:$0x6]  }
0x2e: {  	[tilespmem:s4], [sflag:$0x7] =	stream.linear.gather [hbm4b:s0+s4], $0x2800, $0x38;
	[tilespmem:$0x1E500] =	vst v63  }
0x2f: {  	_ =	swait.ge [sflag:s16], $0x2800  }
0x30: {  	[sflag:s16] =	ssyncset.done $0x0  }
0x31: {  	[sflag:s16] =	ssyncadd.s32 $0xFFFFD800  }
0x32: {  	[spmem:s18], [sflag:s17] =	dma.local [hbm:s13], $0x2780  }
.Ltmp2:
0x33: {  	_ =	swait.ge [sflag:s16], $0x2780;
	(pc) =	sbr.rel @p0 .LBB2_5-.Ltmp2, $4  }
0x34: {  	[sflag:s16] =	ssyncset.done $0x0  }
0x35: {  	[sflag:s16] =	ssyncadd.s32 $0xFFFFD880  }
0x36: {  	[bflag:$0x0] =	sbarrier.arrive $0xFFFF  }
0x37: {  	s0 =	simm.s32 $0x0  }
0x38: {  	[tilespmem:s20], [sflag:$0x1] =	stream.indirect.gather [hbm4b:s7+s19], $0x80, s0, s19, $0xb8;
	[tilespmem:$0x1E500] =	vst v63  }
0x39: {  	_ = 	snop  }
0x3a: {  	[tilespmem:s21], [sflag:$0x5] =	stream.linear.gather [hbm4b:s12+s0], $0x80, $0x38;
	[tilespmem:$0x1E500] =	vst v63  }
0x3b: {  	_ = 	snop  }
0x3c: {  	[tilespmem:s22], [sflag:$0x2] =	stream.indirect.gather [hbm4b:s7+s19], $0x80, s19, s19, $0xb8;
	[tilespmem:$0x1E500] =	vst v63  }
0x3d: {  	_ = 	snop  }
0x3e: {  	[tilespmem:s23], [sflag:$0x6] =	stream.linear.gather [hbm4b:s14+s0], $0x80, $0x38;
	[tilespmem:$0x1E500] =	vst v63  }
0x3f: {  	_ =	swait.ge [sflag:s24], $0x4000  }
0x40: {  	[sflag:s24] =	ssyncset.done $0x0  }
0x41: {  	[sflag:s24] =	ssyncadd.s32 $0xFFFFC000  }
0x42: {  	_ =	swait.ge [sflag:s25], $0x80  }
0x43: {  	[sflag:s25] =	ssyncset.done $0x0  }
0x44: {  	s1 =	simm.s32 $0x20;
	[sflag:s25] =	ssyncadd.s32 $0xFFFFFF80  }
0x45: {  	[spmem:s3] =	stream.indirect.scatter.add.f32 [tilespmem:s20], [sflag:$0x3], $0x80, s21, s19, $0xb8;
	[tilespmem:$0x1E500] =	vst v63  }
0x46: {  	s2 =	sadd.s32 $0x0, s5;
	s10 =	sand.u32 $0x60, s1;
	_ =	swait.ge [sflag:s26], $0x4000  }
0x47: {  	s11 =	sadd.s32 $0x20, s2;
	s10 =	sadd.s32 s6, s10;
	[sflag:s26] =	ssyncset.done $0x0  }
0x48: {  	s11 =	sand.u32 $0xFF80, s11;
	s0 =	simm.s32 $0x100;
	[sflag:s26] =	ssyncadd.s32 $0xFFFFC000  }
0x49: {  	[tilespmem:s20], [sflag:$0x1] =	stream.indirect.gather [hbm4b:s7+s19], $0x80, s0, s19, $0xb8;
	[tilespmem:$0x1E500] =	vst v63  }
0x4a: {  	s10 =	sadd.s32 s11, s10  }
0x4b: {  	[tilespmem:s21], [sflag:$0x5] =	stream.linear.gather [hbm4b:s10+s4], $0x80, $0x38;
	[tilespmem:$0x1E500] =	vst v63  }
0x4c: {  	_ =	swait.ge [sflag:s28], $0x4000  }
0x4d: {  	[sflag:s28] =	ssyncset.done $0x0  }
0x4e: {  	[sflag:s28] =	ssyncadd.s32 $0xFFFFC000  }
0x4f: {  	_ =	swait.ge [sflag:s29], $0x80  }
0x50: {  	[sflag:s29] =	ssyncset.done $0x0  }
0x51: {  	s11 =	simm.s32 $0x30;
	[sflag:s29] =	ssyncadd.s32 $0xFFFFFF80  }
0x52: {  	[spmem:s3] =	stream.indirect.scatter.add.f32 [tilespmem:s22], [sflag:$0x4], $0x80, s23, s19, $0xb8;
	[tilespmem:$0x1E500] =	vst v63  }
0x53: {  	s2 =	sadd.s32 $0x30, s2;
	s10 =	sand.u32 $0x70, s11;
	_ =	swait.ge [sflag:s30], $0x4000  }
0x54: {  	s2 =	sand.u32 $0xFF80, s2;
	s10 =	sadd.s32 s6, s10;
	[sflag:s30] =	ssyncset.done $0x0  }
0x55: {  	s8 =	simm.s32 $0x180;
	s2 =	sadd.s32 s2, s10;
	[sflag:s30] =	ssyncadd.s32 $0xFFFFC000  }
0x56: {  	[tilespmem:s22], [sflag:$0x2] =	stream.indirect.gather [hbm4b:s7+s19], $0x80, s8, s19, $0xb8;
	[tilespmem:$0x1E500] =	vst v63  }
.LBB2_3:
0x57: {  	p1 =	seq.s32 s1, $0x4C0  }
0x58: {  	s0 =	sadd.s32 $0x100, s0;
	s10 =	smov.u32 s1;
	s1 =	sadd.s32 $0x20, s1  }
0x59: {  	[tilespmem:s23], [sflag:$0x6] =	stream.linear.gather [hbm4b:s2+s4], $0x80, $0x38;
	[tilespmem:$0x1E500] =	vst v63  }
0x5a: {  	s2 =	sand.u32 $0x60, s1;
	_ =	swait.ge [sflag:s24], $0x4000  }
0x5b: {  	[sflag:s24] =	ssyncset.done $0x0  }
0x5c: {  	[sflag:s24] =	ssyncadd.s32 $0xFFFFC000  }
0x5d: {  	_ =	swait.ge [sflag:s25], $0x80  }
0x5e: {  	[sflag:s25] =	ssyncset.done $0x0  }
0x5f: {  	[sflag:s25] =	ssyncadd.s32 $0xFFFFFF80  }
0x60: {  	[spmem:s3] =	stream.indirect.scatter.add.f32 [tilespmem:s20], [sflag:$0x3], $0x80, s21, s19, $0xb8;
	[tilespmem:$0x1E500] =	vst v63  }
0x61: {  	_ =	swait.ge [sflag:s26], $0x4000  }
0x62: {  	s11 =	sadd.s32 s10, s5;
	[sflag:s26] =	ssyncset.done $0x0  }
0x63: {  	s8 =	sadd.s32 $0x20, s11;
	s2 =	sadd.s32 s6, s2;
	[sflag:s26] =	ssyncadd.s32 $0xFFFFC000  }
0x64: {  	[tilespmem:s20], [sflag:$0x1] =	stream.indirect.gather [hbm4b:s7+s19], $0x80, s0, s19, $0xb8;
	[tilespmem:$0x1E500] =	vst v63  }
0x65: {  	s11 =	sadd.s32 $0x30, s11;
	s8 =	sand.u32 $0xFF80, s8  }
0x66: {  	s2 =	sadd.s32 s8, s2;
	s8 =	sand.u32 $0xFF80, s11  }
0x67: {  	[tilespmem:s21], [sflag:$0x5] =	stream.linear.gather [hbm4b:s2+s4], $0x80, $0x38;
	[tilespmem:$0x1E500] =	vst v63  }
0x68: {  	_ =	swait.ge [sflag:s28], $0x4000  }
0x69: {  	[sflag:s28] =	ssyncset.done $0x0  }
0x6a: {  	[sflag:s28] =	ssyncadd.s32 $0xFFFFC000  }
0x6b: {  	_ =	swait.ge [sflag:s29], $0x80  }
0x6c: {  	[sflag:s29] =	ssyncset.done $0x0  }
0x6d: {  	s2 =	sadd.s32 $0x30, s10;
	[sflag:s29] =	ssyncadd.s32 $0xFFFFFF80  }
0x6e: {  	[spmem:s3] =	stream.indirect.scatter.add.f32 [tilespmem:s22], [sflag:$0x4], $0x80, s23, s19, $0xb8;
	[tilespmem:$0x1E500] =	vst v63  }
.Ltmp3:
0x6f: {  	_ = 	snop;
	(pc) =	sbr.rel @!p1 .LBB2_3-.Ltmp3, $4  }
0x70: {  	s2 =	sand.u32 $0x70, s2;
	_ =	swait.ge [sflag:s30], $0x4000  }
0x71: {  	s10 =	sadd.s32 $0x80, s0;
	s2 =	sadd.s32 s6, s2;
	[sflag:s30] =	ssyncset.done $0x0  }
0x72: {  	s2 =	sadd.s32 s8, s2;
	[sflag:s30] =	ssyncadd.s32 $0xFFFFC000  }
0x73: {  	[tilespmem:s22], [sflag:$0x2] =	stream.indirect.gather [hbm4b:s7+s19], $0x80, s10, s19, $0xb8;
	[tilespmem:$0x1E500] =	vst v63  }
.Ltmp4:
0x74: {  	(pc) =	sbr.rel .LBB2_8-.Ltmp4, $3  }
0x75: {  	_ =	sdelay $0x1  }
0x76: {  	[tilespmem:s23], [sflag:$0x6] =	stream.linear.gather [hbm4b:s2+s4], $0x80, $0x38;
	[tilespmem:$0x1E500] =	vst v63  }
0x77: {  	s0 =	rddreg [dreg:$0x1]  }
.LBB2_5:
0x78: {  	[tilespmem:s20], [sflag:$0x1] =	stream.indirect.gather [hbm4b:s9+s19], $0x80, s0, s19, $0xb8;
	[tilespmem:$0x1E500] =	vst v63  }
0x79: {  	_ = 	snop  }
0x7a: {  	[tilespmem:s21], [sflag:$0x5] =	stream.linear.gather [hbm4b:s12+s0], $0x80, $0x38;
	[tilespmem:$0x1E500] =	vst v63  }
0x7b: {  	_ = 	snop  }
0x7c: {  	[tilespmem:s22], [sflag:$0x2] =	stream.indirect.gather [hbm4b:s9+s19], $0x80, s19, s19, $0xb8;
	[tilespmem:$0x1E500] =	vst v63  }
0x7d: {  	_ = 	snop  }
0x7e: {  	[tilespmem:s23], [sflag:$0x6] =	stream.linear.gather [hbm4b:s14+s0], $0x80, $0x38;
	[tilespmem:$0x1E500] =	vst v63  }
0x7f: {  	_ =	swait.ge [sflag:s24], $0x4000  }
0x80: {  	[sflag:s24] =	ssyncset.done $0x0  }
0x81: {  	[sflag:s24] =	ssyncadd.s32 $0xFFFFC000  }
0x82: {  	_ =	swait.ge [sflag:s25], $0x80  }
0x83: {  	[sflag:s25] =	ssyncset.done $0x0  }
0x84: {  	s1 =	simm.s32 $0x20;
	[sflag:s25] =	ssyncadd.s32 $0xFFFFFF80  }
0x85: {  	[spmem:s3] =	stream.indirect.scatter.add.f32 [tilespmem:s20], [sflag:$0x3], $0x80, s21, s19, $0xb8;
	[tilespmem:$0x1E500] =	vst v63  }
0x86: {  	s2 =	sadd.s32 $0x0, s5;
	s8 =	sand.u32 $0x60, s1;
	_ =	swait.ge [sflag:s26], $0x4000  }
0x87: {  	s10 =	sadd.s32 $0x20, s2;
	s8 =	sadd.s32 s6, s8;
	[sflag:s26] =	ssyncset.done $0x0  }
0x88: {  	s10 =	sand.u32 $0xFF80, s10;
	s0 =	simm.s32 $0x100;
	[sflag:s26] =	ssyncadd.s32 $0xFFFFC000  }
0x89: {  	[tilespmem:s20], [sflag:$0x1] =	stream.indirect.gather [hbm4b:s9+s19], $0x80, s0, s19, $0xb8;
	[tilespmem:$0x1E500] =	vst v63  }
0x8a: {  	s8 =	sadd.s32 s10, s8  }
0x8b: {  	[tilespmem:s21], [sflag:$0x5] =	stream.linear.gather [hbm4b:s8+s4], $0x80, $0x38;
	[tilespmem:$0x1E500] =	vst v63  }
0x8c: {  	_ =	swait.ge [sflag:s28], $0x4000  }
0x8d: {  	[sflag:s28] =	ssyncset.done $0x0  }
0x8e: {  	[sflag:s28] =	ssyncadd.s32 $0xFFFFC000  }
0x8f: {  	_ =	swait.ge [sflag:s29], $0x80  }
0x90: {  	[sflag:s29] =	ssyncset.done $0x0  }
0x91: {  	s10 =	simm.s32 $0x30;
	[sflag:s29] =	ssyncadd.s32 $0xFFFFFF80  }
0x92: {  	[spmem:s3] =	stream.indirect.scatter.add.f32 [tilespmem:s22], [sflag:$0x4], $0x80, s23, s19, $0xb8;
	[tilespmem:$0x1E500] =	vst v63  }
0x93: {  	s2 =	sadd.s32 $0x30, s2;
	s8 =	sand.u32 $0x70, s10;
	_ =	swait.ge [sflag:s30], $0x4000  }
0x94: {  	s2 =	sand.u32 $0xFF80, s2;
	s8 =	sadd.s32 s6, s8;
	[sflag:s30] =	ssyncset.done $0x0  }
0x95: {  	s11 =	simm.s32 $0x180;
	s2 =	sadd.s32 s2, s8;
	[sflag:s30] =	ssyncadd.s32 $0xFFFFC000  }
0x96: {  	[tilespmem:s22], [sflag:$0x2] =	stream.indirect.gather [hbm4b:s9+s19], $0x80, s11, s19, $0xb8;
	[tilespmem:$0x1E500] =	vst v63  }
.LBB2_6:
0x97: {  	p1 =	sne.s32 s1, $0x4C0  }
0x98: {  	s0 =	sadd.s32 $0x100, s0;
	s8 =	smov.u32 s1;
	s1 =	sadd.s32 $0x20, s1  }
0x99: {  	[tilespmem:s23], [sflag:$0x6] =	stream.linear.gather [hbm4b:s2+s4], $0x80, $0x38;
	[tilespmem:$0x1E500] =	vst v63  }
0x9a: {  	s2 =	sand.u32 $0x60, s1;
	_ =	swait.ge [sflag:s24], $0x4000  }
0x9b: {  	[sflag:s24] =	ssyncset.done $0x0  }
0x9c: {  	[sflag:s24] =	ssyncadd.s32 $0xFFFFC000  }
0x9d: {  	_ =	swait.ge [sflag:s25], $0x80  }
0x9e: {  	[sflag:s25] =	ssyncset.done $0x0  }
0x9f: {  	[sflag:s25] =	ssyncadd.s32 $0xFFFFFF80  }
0xa0: {  	[spmem:s3] =	stream.indirect.scatter.add.f32 [tilespmem:s20], [sflag:$0x3], $0x80, s21, s19, $0xb8;
	[tilespmem:$0x1E500] =	vst v63  }
0xa1: {  	_ =	swait.ge [sflag:s26], $0x4000  }
0xa2: {  	s10 =	sadd.s32 s8, s5;
	[sflag:s26] =	ssyncset.done $0x0  }
0xa3: {  	s11 =	sadd.s32 $0x20, s10;
	s2 =	sadd.s32 s6, s2;
	[sflag:s26] =	ssyncadd.s32 $0xFFFFC000  }
0xa4: {  	[tilespmem:s20], [sflag:$0x1] =	stream.indirect.gather [hbm4b:s9+s19], $0x80, s0, s19, $0xb8;
	[tilespmem:$0x1E500] =	vst v63  }
0xa5: {  	s10 =	sadd.s32 $0x30, s10;
	s11 =	sand.u32 $0xFF80, s11  }
0xa6: {  	s10 =	sand.u32 $0xFF80, s10;
	s2 =	sadd.s32 s11, s2  }
0xa7: {  	[tilespmem:s21], [sflag:$0x5] =	stream.linear.gather [hbm4b:s2+s4], $0x80, $0x38;
	[tilespmem:$0x1E500] =	vst v63  }
0xa8: {  	_ =	swait.ge [sflag:s28], $0x4000  }
0xa9: {  	[sflag:s28] =	ssyncset.done $0x0  }
0xaa: {  	[sflag:s28] =	ssyncadd.s32 $0xFFFFC000  }
0xab: {  	_ =	swait.ge [sflag:s29], $0x80  }
0xac: {  	[sflag:s29] =	ssyncset.done $0x0  }
0xad: {  	s2 =	sadd.s32 $0x30, s8;
	[sflag:s29] =	ssyncadd.s32 $0xFFFFFF80  }
0xae: {  	[spmem:s3] =	stream.indirect.scatter.add.f32 [tilespmem:s22], [sflag:$0x4], $0x80, s23, s19, $0xb8;
	[tilespmem:$0x1E500] =	vst v63  }
.Ltmp5:
0xaf: {  	_ = 	snop;
	(pc) =	sbr.rel @p1 .LBB2_6-.Ltmp5, $4  }
0xb0: {  	s2 =	sand.u32 $0x70, s2;
	_ =	swait.ge [sflag:s30], $0x4000  }
0xb1: {  	s8 =	sadd.s32 $0x80, s0;
	s2 =	sadd.s32 s6, s2;
	[sflag:s30] =	ssyncset.done $0x0  }
0xb2: {  	s2 =	sadd.s32 s10, s2;
	[sflag:s30] =	ssyncadd.s32 $0xFFFFC000  }
0xb3: {  	[tilespmem:s22], [sflag:$0x2] =	stream.indirect.gather [hbm4b:s9+s19], $0x80, s8, s19, $0xb8;
	[tilespmem:$0x1E500] =	vst v63  }
.Ltmp6:
0xb4: {  	_ = 	snop;
	(pc) =	sbr.rel .LBB2_7-.Ltmp6, $1  }
0xb5: {  	_ =	sdelay $0x3  }
.LBB2_9:
0xb6: {  	_ =	sfence.sel $0x180000  }
0xb7: {  	[bflag:$0x0] =	sbarrier.arrive $0xFFFF  }
0xb8: {  	_ =	strace $0x9000004A  }
0xb9: {  	s0 =	stileid.u32;
	[bflag:$0x2] =	sbarrier.arrive $0xFFFF  }
0xba: {  	p0 =	sne.s32 s0, $0x0;
	s0 =	rddreg [dreg:$0x3]  }
0xbb: {  	s0 =	sadd.s32 @!p0 $0x100000, s0  }
0xbc: {  	[sflag:s0] =	ssyncadd.tile.s32 @!p0 $0x1;
	_ =	shalt  }
.Lfunc_end2:
_tile_overlayer_lowered:
.L_overlay_start_2:
0xbd: {  	(tag) =	ssettag $0x2  }
0xbe: {  	s0 =	rddreg [dreg:$0x0];
	s2 =	stileid.u32  }
0xbf: {  	s1 =	rddreg [dreg:$0x1];
	p0 =	sne.s32 s2, $0x0  }
0xc0: {  	s3 =	rddreg [dreg:$0x2];
	[bflag:$0x3] =	sbarrier.arrive $0xFFFF;
	s2 =	simm.s32 @!p0 $0x1C07  }
0xc1: {  	[timem:s3], [sflag:s2] =	dma.local @!p0 [hbm:s0], s1  }
0xc2: {  	s0 =	simm.s32 @!p0 $0x7  }
0xc3: {  	_ =	swait.ge @!p0 [sflag:s0], s1  }
0xc4: {  	s1 =	ssub.s32 @!p0 $0x0, s1;
	[sflag:s0] =	ssyncset.done @!p0 $0x0  }
0xc5: {  	[sflag:s0] =	ssyncadd.s32 @!p0 s1  }
0xc6: {  	[bflag:$0x3] =	sbarrier.arrive $0xFFFF  }
0xc7: {  	_ =	shalt  }

// kernel: kernel.15.cloned.1.call-start
scs
__scs_entry_jumppad:
0x0: {  	(pc) =	sbr.rel $0x88, $3  }
0x1: {  	(tag) =	ssettag $0x0;
	lr =	simm.s32 $0x1  }
0x2: {  	[smem:$0x3F9B] =	sst lr;
	_ =	strace $0xD0000000  }
0x3: {  	_ = 	snop  }
0x4: {  	_ = 	snop  }
0x5: {  	_ = 	snop  }
0x6: {  	_ = 	snop  }
0x7: {  	_ = 	snop  }
__scs_overlays_trampoline_lowered:
0x8: {  	[smem:$0x3FAA] =	sst s0  }
0x9: {  	[smem:$0x3FAB] =	sst s1  }
0xa: {  	[smem:$0x3FAC] =	sst s2  }
0xb: {  	[smem:$0x3FAD] =	sst s3  }
0xc: {  	[smem:$0x3FAE] =	sst s4  }
0xd: {  	[smem:$0x3FAF] =	sst s5  }
0xe: {  	[smem:$0x3FB0] =	sst s6  }
0xf: {  	[smem:$0x3FB1] =	sst s7  }
0x10: {  	[smem:$0x3FB2] =	sst s8  }
0x11: {  	[smem:$0x3FB3] =	sst s9;
	s0 =	simm.s32 @!p0 $0x0  }
0x12: {  	s1 =	sld [smem:$0x3F99];
	s0 =	simm.s32 @p0 $0x1  }
0x13: {  	[smem:$0x3FB4] =	sst s0;
	s0 =	simm.s32 @!p1 $0x0  }
0x14: {  	s2 =	sld [smem:$0x3F98];
	s0 =	simm.s32 @p1 $0x1  }
0x15: {  	[smem:$0x3FB5] =	sst s0;
	s0 =	simm.s32 @!p2 $0x0  }
0x16: {  	s3 =	sld [smem:$0x3FDB];
	s0 =	simm.s32 @p2 $0x1  }
0x17: {  	s4 =	simm.s32 $0x1BF5;
	[smem:$0x3FB7] =	sst s0  }
0x18: {  	s0 =	sld [smem:$0x3F9A];
	_ =	swait.ge [sflag:s4], $0x0  }
0x19: {  	s7 =	sld [smem:$0x3F9B]  }
0x1a: {  	s8 =	sadd.s32 $0xFFFFE003, lr  }
0x1b: {  	s9 =	sadd.s32 $0xFFFFFEF7, lr;
	s5 =	simm.s32 $0xFFFFFFFF;
	p2 =	slt.u32 s8, $0xFFFFF086  }
0x1c: {  	p1 =	slt.u32 s9, $0xF7A;
	s5 =	simm.s32 @!p2 $0x0  }
0x1d: {  	s5 =	simm.s32 @p1 $0x1;
	p0 =	seq.s32 s7, s2  }
0x1e: {  	s7 =	smul.u32 @!p0 $0xF7A, s2;
	p2 =	seq.s32 @!p0 s5, $0x0  }
0x1f: {  	s9 =	smul.u32 $0xF7A, s1;
	s8 =	simm.s32 @!p0 $0x1BF5;
	p2 =	por !p2, p0  }
0x20: {  	[sflag:s8] =	ssyncset.s32 @!p0 $0xFFFFF086;
	s6 =	sadd.s32 @!p0 s3, s7;
	s7 =	simm.s32 @!p0 $0x108  }
0x21: {  	s3 =	sadd.s32 s3, s9;
	s6 =	sadd.s32 @!p0 $0x88, s6;
	s7 =	simm.s32 @p2 $0x1082  }
0x22: {  	[simem:s7], [sflag:s8] =	dma.local @!p0 [hbm:s6], $0xF7A  }
0x23: {  	s9 =	sor.u32 $0xD0000000, s2;
	s6 =	simm.s32 $0x108;
	_ =	swait.ge @!p0 [sflag:s8], $0x0  }
0x24: {  	s3 =	sadd.s32 $0x88, s3;
	s6 =	simm.s32 @!p1 $0x1082;
	[sflag:s4] =	ssyncset.s32 $0xFFFFF086  }
0x25: {  	[simem:s6], [sflag:s4] =	dma.local [hbm:s3], $0xF7A  }
0x26: {  	[smem:$0x3F9B] =	sst s1;
	(tag) =	ssettag s2;
	_ =	strace s9  }
0x27: {  	s1 =	sld [smem:$0x3FAB]  }
0x28: {  	s2 =	sld [smem:$0x3FAC]  }
0x29: {  	s4 =	sld [smem:$0x3FAE]  }
0x2a: {  	p0 =	seq.s32 s5, $0x0;
	s5 =	sld [smem:$0x3FAF]  }
0x2b: {  	s6 =	sld [smem:$0x3FB0]  }
0x2c: {  	s7 =	sld [smem:$0x3FB1]  }
0x2d: {  	s3 =	simm.s32 $0x108;
	s8 =	sld [smem:$0x3FB2]  }
0x2e: {  	s3 =	simm.s32 @!p0 $0x1082;
	s9 =	sld [smem:$0x3FB3]  }
0x2f: {  	lr =	sadd.s32 s0, s3;
	s0 =	sld [smem:$0x3FAA]  }
0x30: {  	s3 =	sld [smem:$0x3FAD]  }
0x31: {  	[smem:$0x3FB6] =	sst s10  }
0x32: {  	s10 =	sld [smem:$0x3FB4];
	_ =	sdelay $0x3  }
0x33: {  	p0 =	seq.s32 s10, $0x1;
	s10 =	sld [smem:$0x3FB6];
	_ =	sdelay $0x3  }
0x34: {  	[smem:$0x3FB6] =	sst s10  }
0x35: {  	s10 =	sld [smem:$0x3FB5];
	_ =	sdelay $0x3  }
0x36: {  	p1 =	seq.s32 s10, $0x1;
	s10 =	sld [smem:$0x3FB6];
	_ =	sdelay $0x3  }
0x37: {  	[smem:$0x3FB6] =	sst s10  }
0x38: {  	s10 =	sld [smem:$0x3FB7]  }
0x39: {  	_ = 	snop;
	(pc) =	sbr.ind lr, $3  }
0x3a: {  	_ = 	snop  }
0x3b: {  	_ = 	snop  }
0x3c: {  	p2 =	seq.s32 s10, $0x1;
	s10 =	sld [smem:$0x3FB6]  }
0x3d: {  	_ =	shalt  }
0x3e: {  	_ =	shalt  }
0x3f: {  	_ =	shalt  }
0x40: {  	_ =	shalt  }
0x41: {  	_ =	shalt  }
0x42: {  	_ =	shalt  }
0x43: {  	_ =	shalt  }
0x44: {  	_ =	shalt  }
0x45: {  	_ =	shalt  }
0x46: {  	_ =	shalt  }
0x47: {  	_ =	shalt  }
0x48: {  	_ =	shalt  }
0x49: {  	_ =	shalt  }
0x4a: {  	_ =	shalt  }
0x4b: {  	_ =	shalt  }
0x4c: {  	_ =	shalt  }
0x4d: {  	_ =	shalt  }
0x4e: {  	_ =	shalt  }
0x4f: {  	_ =	shalt  }
0x50: {  	_ =	shalt  }
0x51: {  	_ =	shalt  }
0x52: {  	_ =	shalt  }
0x53: {  	_ =	shalt  }
0x54: {  	_ =	shalt  }
0x55: {  	_ =	shalt  }
0x56: {  	_ =	shalt  }
0x57: {  	_ =	shalt  }
0x58: {  	_ =	shalt  }
0x59: {  	_ =	shalt  }
0x5a: {  	_ =	shalt  }
0x5b: {  	_ =	shalt  }
0x5c: {  	_ =	shalt  }
0x5d: {  	_ =	shalt  }
0x5e: {  	_ =	shalt  }
0x5f: {  	_ =	shalt  }
0x60: {  	_ =	shalt  }
0x61: {  	_ =	shalt  }
0x62: {  	_ =	shalt  }
0x63: {  	_ =	shalt  }
0x64: {  	_ =	shalt  }
0x65: {  	_ =	shalt  }
0x66: {  	_ =	shalt  }
0x67: {  	_ =	shalt  }
0x68: {  	_ =	shalt  }
0x69: {  	_ =	shalt  }
0x6a: {  	_ =	shalt  }
0x6b: {  	_ =	shalt  }
0x6c: {  	_ =	shalt  }
0x6d: {  	_ =	shalt  }
0x6e: {  	_ =	shalt  }
0x6f: {  	_ =	shalt  }
0x70: {  	_ =	shalt  }
0x71: {  	_ =	shalt  }
0x72: {  	_ =	shalt  }
0x73: {  	_ =	shalt  }
0x74: {  	_ =	shalt  }
0x75: {  	_ =	shalt  }
0x76: {  	_ =	shalt  }
0x77: {  	_ =	shalt  }
0x78: {  	_ =	shalt  }
0x79: {  	_ =	shalt  }
0x7a: {  	_ =	shalt  }
0x7b: {  	_ =	shalt  }
0x7c: {  	_ =	shalt  }
0x7d: {  	_ =	shalt  }
0x7e: {  	_ =	shalt  }
0x7f: {  	_ =	shalt  }
0x80: {  	_ =	shalt  }
0x81: {  	_ =	shalt  }
0x82: {  	_ =	shalt  }
0x83: {  	_ =	shalt  }
0x84: {  	_ =	shalt  }
0x85: {  	_ =	shalt  }
0x86: {  	_ =	shalt  }
0x87: {  	_ =	shalt  }
.Lfunc_end0:
.L_simem_size_0:
called_computation.2_lowered:
.L_overlay_start_0:
0x88: {  	s2 =	sld [smem:$0x3FD9]  }
0x89: {  	s3 =	sld [smem:$0x3FFE];
	_ =	sdelay $0x1  }
0x8a: {  	s1 =	srdreg.scid  }
0x8b: {  	s0 =	sand.u32 $0x1, s1  }
0x8c: {  	s17 =	sshll.u32 s0, $0xA;
	s2 =	sadd.s32 s3, s2  }
0x8d: {  	s2 =	sadd.s32 s2, s17  }
0x8e: {  	[smem:$0x3FC2] =	sst s2  }
0x8f: {  	_ = 	snop  }
0x90: {  	s2 =	sld [smem:$0x3FD0];
	(tm) =	ssettm $0x1  }
0x91: {  	s18 =	sld [smem:$0x3FFB];
	_ =	sdelay $0x3  }
0x92: {  	_ =	strace s18  }
0x93: {  	s3 =	sld [smem:$0x3FFC];
	_ =	sdelay $0x3  }
0x94: {  	_ =	strace s3  }
0x95: {  	s3 =	sld [smem:$0x3FFD];
	_ =	sdelay $0x3  }
0x96: {  	_ =	strace s3  }
0x97: {  	_ =	strace $0x8FFFFFFF  }
0x98: {  	s19 =	sld [smem:$0x3FDB];
	_ =	sdelay $0x1  }
0x99: {  	s4 =	simm.s32 $_scs_section_size  }
0x9a: {  	s5 =	simm.s32 $_size__tile_overlayer_lowered;
	s6 =	simm.s32 $_tile_overlayer_lowered  }
0x9b: {  	s22 =	simm.s32 $0x1BFF;
	s21 =	sshll.u32 s6, $0x1;
	s3 =	sadd.s32 s4, s19  }
0x9c: {  	s7 =	simm.s32 $0x0;
	s20 =	sshll.u32 s5, $0x1;
	s5 =	sadd.s32 s21, s3  }
0x9d: {  	[timem:s7], [sflag:s22] =	dma.local [hbm:s5], s20  }
0x9e: {  	_ =	swait.ge [sflag:s22], s20  }
0x9f: {  	s4 =	ssub.s32 $0x0, s20;
	[sflag:s22] =	ssyncset.done $0x0  }
0xa0: {  	[sflag:s22] =	ssyncadd.s32 s4;
	_ =	sdelay $0x1  }
0xa1: {  	s23 =	simm.s32 $0x1B8B  }
0xa2: {  	_ =	swait.ge [sflag:s23], $0x1  }
0xa3: {  	[sflag:s23] =	ssyncset.done $0x0  }
0xa4: {  	s25 =	simm.s32 $0x1B8E;
	s24 =	sld [smem:$0x3FFE];
	[sflag:s23] =	ssyncadd.s32 $0xFFFFFFFF  }
0xa5: {  	s26 =	simm.s32 $execute0_lowered;
	[smem:$0x3FD2] =	sst s25  }
0xa6: {  	s5 =	sshll.u32 s26, $0x1;
	_ =	strace $0x8000004C;
	[dreg:$0x1] =	wrdreg $0xFFFFFFFF  }
0xa7: {  	s28 =	simm.s32 $_size_execute0_lowered;
	s3 =	sadd.s32 s3, s5;
	[dreg:$0x0] =	wrdreg $0x0  }
0xa8: {  	s5 =	sshll.u32 s28, $0x1;
	[dreg:$0x2] =	wrdreg s3  }
0xa9: {  	[dreg:$0x3] =	wrdreg s5  }
0xaa: {  	[dreg:$0x4] =	wrdreg $0xC0  }
0xab: {  	_ =	task [dreg:s7], $0x5FFFF  }
0xac: {  	[dreg:$0x1] =	wrdreg $0xFFFFFFFF  }
0xad: {  	[dreg:$0x0] =	wrdreg $0x60  }
0xae: {  	[dreg:$0x2] =	wrdreg s24  }
0xaf: {  	[dreg:$0x3] =	wrdreg s2  }
0xb0: {  	[dreg:$0x4] =	wrdreg $0xA9000  }
0xb1: {  	[dreg:$0x5] =	wrdreg $0x9  }
0xb2: {  	_ =	task.clear_ibuf [dreg:s7], $0x6FFFF;
	_ =	strace $0x9000004C  }
0xb3: {  	s29 =	simm.s32 $0x9;
	_ =	strace $0x8000004E  }
0xb4: {  	_ =	swait.ge [sflag:s29], $0x1  }
0xb5: {  	[sflag:s29] =	ssyncadd.s32 $0xFFFFFFFF  }
0xb6: {  	_ =	strace $0x9000004E  }
0xb7: {  	_ =	sfence  }
0xb8: {  	s30 =	sld [smem:$0x0];
	_ =	sdelay $0x2  }
0xb9: {  	s31 =	sshll.u32 s1, $0xD;
	s1 =	sshrl.u32 s1, $0x2  }
0xba: {  	s3 =	sand.u32 $0x4000, s31;
	s1 =	sadd.s32 s1, s30  }
0xbb: {  	s0 =	sor.u32 s3, s0;
	s1 =	sshll.u32 s1, $0x11  }
0xbc: {  	s0 =	sor.u32 s1, s0  }
0xbd: {  	s0 =	sadd.s32 $0x8F2B, s0  }
0xbe: {  	[sflag:s0] =	ssyncadd.remote.s32 $0x1  }
0xbf: {  	_ =	sfence.sel $0xFFFF  }
0xc0: {  	[dreg:$0x0] =	wrdreg $0xFFFFFFFF;
	(pc) =	sbr.abs _section_cstart, $3  }
0xc1: {  	[dreg:$0x1] =	wrdreg $0xFFFFFFFF  }
0xc2: {  	_ =	task.clear_ibuf [dreg:s7], $0x2FFFF;
	_ =	strace $0x9FFFFFFF  }
0xc3: {  	(tm) =	ssettm $0x7FFFFFFF  }
tec
execute0_lowered:
.L_overlay_start_1:
0x0: {  	(tag) =	ssettag $0x1  }
0x1: {  	s0 =	rddreg [dreg:$0x0]  }
0x2: {  	s3 =	rddreg [dreg:$0x2];
	s4 =	simm.s32 $0x0  }
0x3: {  	s8 =	stileid.u32;
	s1 =	srdreg.scid;
	s16 =	simm.s32 $0x7  }
0x4: {  	s19 =	simm.s32 $0x80;
	s20 =	simm.s32 $0x2800;
	s21 =	simm.s32 $0xA800  }
0x5: {  	s22 =	simm.s32 $0x6800;
	s23 =	simm.s32 $0xA880;
	s28 =	simm.s32 $0x2  }
0x6: {  	s29 =	simm.s32 $0x6;
	s30 =	simm.s32 $0x4;
	s31 =	simm.s32 $0x0  }
0x7: {  	[smem:$0x7FF] =	sst s4;
	s5 =	smul.u32 $0x500, s8;
	s6 =	sadd.s32 $0x4200, s0  }
0x8: {  	s1 =	sand.u32 $0x1, s1;
	s7 =	sadd.s32 $0x85200, s0;
	s10 =	smul.u32 $0x2780, s8  }
0x9: {  	s9 =	sadd.s32 $0xAC400, s0;
	s13 =	smul.u32 $0x4F000, s8;
	s26 =	sshll.u32 s8, $0x6  }
0xa: {  	_ =	strace $0x8000004D;
	s11 =	ssub.s32 $0x2, s1;
	p0 =	sne.s32 s1, $0x0  }
0xb: {  	s17 =	sor.u32 $0x1C07, s26;
	s26 =	simm.s32 $0x3;
	s2 =	sadd.s32 s5, s0  }
0xc: {  	s12 =	sshrl.u32 s11, $0x1;
	[dreg:$0x4] =	wrdreg s10;
	s14 =	sadd.s32 s10, s0  }
.Ltmp0:
0xd: {  	s0 =	sadd.s32 $0xD3600, s0;
	s25 =	sshrl.u32 s13, $0x2;
	(pc) =	sbr.rel .LBB2_1-.Ltmp0, $4  }
0xe: {  	[dreg:$0x5] =	wrdreg s0;
	s24 =	ssub.s32 s11, s12;
	s2 =	sadd.s32 $0x9200, s2  }
0xf: {  	s12 =	sadd.s32 s6, s5;
	s13 =	sadd.s32 $0xEA00, s14;
	[dreg:$0x6] =	wrdreg s2  }
0x10: {  	s2 =	sadd.s32 s25, s3;
	s14 =	sadd.s32 $0x10, s12;
	s15 =	smax.u32 s24, $0x1  }
0x11: {  	s24 =	simm.s32 $0x1;
	s25 =	simm.s32 $0x5;
	s18 =	sshrl.u32 s2, $0x3  }
.LBB2_7:
0x12: {  	[tilespmem:s23], [sflag:$0x6] =	stream.linear.gather [hbm4b:s2+s4], $0x80, $0x38;
	[tilespmem:$0x1E500] =	vst v63  }
0x13: {  	s0 =	rddreg [dreg:$0x5]  }
.LBB2_8:
0x14: {  	_ =	swait.ge [sflag:s24], $0x4000  }
0x15: {  	[sflag:s24] =	ssyncset.done $0x0  }
0x16: {  	[sflag:s24] =	ssyncadd.s32 $0xFFFFC000  }
0x17: {  	_ =	swait.ge [sflag:s25], $0x80  }
0x18: {  	[sflag:s25] =	ssyncset.done $0x0  }
0x19: {  	[sflag:s25] =	ssyncadd.s32 $0xFFFFFF80  }
0x1a: {  	[spmem:s3] =	stream.indirect.scatter.add.f32 [tilespmem:s20], [sflag:$0x3], $0x80, s21, s19, $0xb8;
	[tilespmem:$0x1E500] =	vst v63  }
0x1b: {  	_ =	swait.ge [sflag:s28], $0x4000  }
0x1c: {  	[sflag:s28] =	ssyncset.done $0x0  }
0x1d: {  	[sflag:s28] =	ssyncadd.s32 $0xFFFFC000  }
0x1e: {  	_ =	swait.ge [sflag:s29], $0x80  }
0x1f: {  	[sflag:s29] =	ssyncset.done $0x0  }
0x20: {  	[sflag:s29] =	ssyncadd.s32 $0xFFFFFF80  }
0x21: {  	[spmem:s3] =	stream.indirect.scatter.add.f32 [tilespmem:s22], [sflag:$0x4], $0x80, s23, s19, $0xb8;
	[tilespmem:$0x1E500] =	vst v63  }
0x22: {  	_ =	swait.ge [sflag:s26], $0x4000  }
0x23: {  	[sflag:s26] =	ssyncset.done $0x0  }
0x24: {  	[sflag:s26] =	ssyncadd.s32 $0xFFFFC000  }
0x25: {  	_ =	swait.ge [sflag:s30], $0x4000  }
0x26: {  	s31 =	sadd.s32 $0x1, s31;
	[sflag:s30] =	ssyncset.done $0x0  }
0x27: {  	p1 =	sne.s32 s31, s15;
	s1 =	rddreg [dreg:$0x4];
	[sflag:s30] =	ssyncadd.s32 $0xFFFFC000  }
.Ltmp1:
0x28: {  	s0 =	sadd.s32 s0, s1;
	[bflag:$0x0] =	sbarrier.arrive $0xFFFF;
	(pc) =	sbr.rel @!p1 .LBB2_9-.Ltmp1, $4  }
0x29: {  	[hbm:s0], [sflag:s17] =	dma.local [spmem:s18], $0x2780  }
0x2a: {  	_ =	swait.ge [sflag:s16], $0x2780  }
0x2b: {  	[sflag:s16] =	ssyncset.done $0x0  }
0x2c: {  	[sflag:s16] =	ssyncadd.s32 $0xFFFFD880  }
.LBB2_1:
0x2d: {  	s0 =	rddreg [dreg:$0x6]  }
0x2e: {  	[tilespmem:s4], [sflag:$0x7] =	stream.linear.gather [hbm4b:s0+s4], $0x2800, $0x38;
	[tilespmem:$0x1E500] =	vst v63  }
0x2f: {  	_ =	swait.ge [sflag:s16], $0x2800  }
0x30: {  	[sflag:s16] =	ssyncset.done $0x0  }
0x31: {  	[sflag:s16] =	ssyncadd.s32 $0xFFFFD800  }
0x32: {  	[spmem:s18], [sflag:s17] =	dma.local [hbm:s13], $0x2780  }
.Ltmp2:
0x33: {  	_ =	swait.ge [sflag:s16], $0x2780;
	(pc) =	sbr.rel @p0 .LBB2_5-.Ltmp2, $4  }
0x34: {  	[sflag:s16] =	ssyncset.done $0x0  }
0x35: {  	[sflag:s16] =	ssyncadd.s32 $0xFFFFD880  }
0x36: {  	[bflag:$0x0] =	sbarrier.arrive $0xFFFF  }
0x37: {  	s0 =	simm.s32 $0x0  }
0x38: {  	[tilespmem:s20], [sflag:$0x1] =	stream.indirect.gather [hbm4b:s7+s19], $0x80, s0, s19, $0xb8;
	[tilespmem:$0x1E500] =	vst v63  }
0x39: {  	_ = 	snop  }
0x3a: {  	[tilespmem:s21], [sflag:$0x5] =	stream.linear.gather [hbm4b:s12+s0], $0x80, $0x38;
	[tilespmem:$0x1E500] =	vst v63  }
0x3b: {  	_ = 	snop  }
0x3c: {  	[tilespmem:s22], [sflag:$0x2] =	stream.indirect.gather [hbm4b:s7+s19], $0x80, s19, s19, $0xb8;
	[tilespmem:$0x1E500] =	vst v63  }
0x3d: {  	_ = 	snop  }
0x3e: {  	[tilespmem:s23], [sflag:$0x6] =	stream.linear.gather [hbm4b:s14+s0], $0x80, $0x38;
	[tilespmem:$0x1E500] =	vst v63  }
0x3f: {  	_ =	swait.ge [sflag:s24], $0x4000  }
0x40: {  	[sflag:s24] =	ssyncset.done $0x0  }
0x41: {  	[sflag:s24] =	ssyncadd.s32 $0xFFFFC000  }
0x42: {  	_ =	swait.ge [sflag:s25], $0x80  }
0x43: {  	[sflag:s25] =	ssyncset.done $0x0  }
0x44: {  	s1 =	simm.s32 $0x20;
	[sflag:s25] =	ssyncadd.s32 $0xFFFFFF80  }
0x45: {  	[spmem:s3] =	stream.indirect.scatter.add.f32 [tilespmem:s20], [sflag:$0x3], $0x80, s21, s19, $0xb8;
	[tilespmem:$0x1E500] =	vst v63  }
0x46: {  	s2 =	sadd.s32 $0x0, s5;
	s10 =	sand.u32 $0x60, s1;
	_ =	swait.ge [sflag:s26], $0x4000  }
0x47: {  	s11 =	sadd.s32 $0x20, s2;
	s10 =	sadd.s32 s6, s10;
	[sflag:s26] =	ssyncset.done $0x0  }
0x48: {  	s11 =	sand.u32 $0xFF80, s11;
	s0 =	simm.s32 $0x100;
	[sflag:s26] =	ssyncadd.s32 $0xFFFFC000  }
0x49: {  	[tilespmem:s20], [sflag:$0x1] =	stream.indirect.gather [hbm4b:s7+s19], $0x80, s0, s19, $0xb8;
	[tilespmem:$0x1E500] =	vst v63  }
0x4a: {  	s10 =	sadd.s32 s11, s10  }
0x4b: {  	[tilespmem:s21], [sflag:$0x5] =	stream.linear.gather [hbm4b:s10+s4], $0x80, $0x38;
	[tilespmem:$0x1E500] =	vst v63  }
0x4c: {  	_ =	swait.ge [sflag:s28], $0x4000  }
0x4d: {  	[sflag:s28] =	ssyncset.done $0x0  }
0x4e: {  	[sflag:s28] =	ssyncadd.s32 $0xFFFFC000  }
0x4f: {  	_ =	swait.ge [sflag:s29], $0x80  }
0x50: {  	[sflag:s29] =	ssyncset.done $0x0  }
0x51: {  	s11 =	simm.s32 $0x30;
	[sflag:s29] =	ssyncadd.s32 $0xFFFFFF80  }
0x52: {  	[spmem:s3] =	stream.indirect.scatter.add.f32 [tilespmem:s22], [sflag:$0x4], $0x80, s23, s19, $0xb8;
	[tilespmem:$0x1E500] =	vst v63  }
0x53: {  	s2 =	sadd.s32 $0x30, s2;
	s10 =	sand.u32 $0x70, s11;
	_ =	swait.ge [sflag:s30], $0x4000  }
0x54: {  	s2 =	sand.u32 $0xFF80, s2;
	s10 =	sadd.s32 s6, s10;
	[sflag:s30] =	ssyncset.done $0x0  }
0x55: {  	s8 =	simm.s32 $0x180;
	s2 =	sadd.s32 s2, s10;
	[sflag:s30] =	ssyncadd.s32 $0xFFFFC000  }
0x56: {  	[tilespmem:s22], [sflag:$0x2] =	stream.indirect.gather [hbm4b:s7+s19], $0x80, s8, s19, $0xb8;
	[tilespmem:$0x1E500] =	vst v63  }
.LBB2_3:
0x57: {  	p1 =	seq.s32 s1, $0x4C0  }
0x58: {  	s0 =	sadd.s32 $0x100, s0;
	s10 =	smov.u32 s1;
	s1 =	sadd.s32 $0x20, s1  }
0x59: {  	[tilespmem:s23], [sflag:$0x6] =	stream.linear.gather [hbm4b:s2+s4], $0x80, $0x38;
	[tilespmem:$0x1E500] =	vst v63  }
0x5a: {  	s2 =	sand.u32 $0x60, s1;
	_ =	swait.ge [sflag:s24], $0x4000  }
0x5b: {  	[sflag:s24] =	ssyncset.done $0x0  }
0x5c: {  	[sflag:s24] =	ssyncadd.s32 $0xFFFFC000  }
0x5d: {  	_ =	swait.ge [sflag:s25], $0x80  }
0x5e: {  	[sflag:s25] =	ssyncset.done $0x0  }
0x5f: {  	[sflag:s25] =	ssyncadd.s32 $0xFFFFFF80  }
0x60: {  	[spmem:s3] =	stream.indirect.scatter.add.f32 [tilespmem:s20], [sflag:$0x3], $0x80, s21, s19, $0xb8;
	[tilespmem:$0x1E500] =	vst v63  }
0x61: {  	_ =	swait.ge [sflag:s26], $0x4000  }
0x62: {  	s11 =	sadd.s32 s10, s5;
	[sflag:s26] =	ssyncset.done $0x0  }
0x63: {  	s8 =	sadd.s32 $0x20, s11;
	s2 =	sadd.s32 s6, s2;
	[sflag:s26] =	ssyncadd.s32 $0xFFFFC000  }
0x64: {  	[tilespmem:s20], [sflag:$0x1] =	stream.indirect.gather [hbm4b:s7+s19], $0x80, s0, s19, $0xb8;
	[tilespmem:$0x1E500] =	vst v63  }
0x65: {  	s11 =	sadd.s32 $0x30, s11;
	s8 =	sand.u32 $0xFF80, s8  }
0x66: {  	s2 =	sadd.s32 s8, s2;
	s8 =	sand.u32 $0xFF80, s11  }
0x67: {  	[tilespmem:s21], [sflag:$0x5] =	stream.linear.gather [hbm4b:s2+s4], $0x80, $0x38;
	[tilespmem:$0x1E500] =	vst v63  }
0x68: {  	_ =	swait.ge [sflag:s28], $0x4000  }
0x69: {  	[sflag:s28] =	ssyncset.done $0x0  }
0x6a: {  	[sflag:s28] =	ssyncadd.s32 $0xFFFFC000  }
0x6b: {  	_ =	swait.ge [sflag:s29], $0x80  }
0x6c: {  	[sflag:s29] =	ssyncset.done $0x0  }
0x6d: {  	s2 =	sadd.s32 $0x30, s10;
	[sflag:s29] =	ssyncadd.s32 $0xFFFFFF80  }
0x6e: {  	[spmem:s3] =	stream.indirect.scatter.add.f32 [tilespmem:s22], [sflag:$0x4], $0x80, s23, s19, $0xb8;
	[tilespmem:$0x1E500] =	vst v63  }
.Ltmp3:
0x6f: {  	_ = 	snop;
	(pc) =	sbr.rel @!p1 .LBB2_3-.Ltmp3, $4  }
0x70: {  	s2 =	sand.u32 $0x70, s2;
	_ =	swait.ge [sflag:s30], $0x4000  }
0x71: {  	s10 =	sadd.s32 $0x80, s0;
	s2 =	sadd.s32 s6, s2;
	[sflag:s30] =	ssyncset.done $0x0  }
0x72: {  	s2 =	sadd.s32 s8, s2;
	[sflag:s30] =	ssyncadd.s32 $0xFFFFC000  }
0x73: {  	[tilespmem:s22], [sflag:$0x2] =	stream.indirect.gather [hbm4b:s7+s19], $0x80, s10, s19, $0xb8;
	[tilespmem:$0x1E500] =	vst v63  }
.Ltmp4:
0x74: {  	(pc) =	sbr.rel .LBB2_8-.Ltmp4, $3  }
0x75: {  	_ =	sdelay $0x1  }
0x76: {  	[tilespmem:s23], [sflag:$0x6] =	stream.linear.gather [hbm4b:s2+s4], $0x80, $0x38;
	[tilespmem:$0x1E500] =	vst v63  }
0x77: {  	s0 =	rddreg [dreg:$0x1]  }
.LBB2_5:
0x78: {  	[tilespmem:s20], [sflag:$0x1] =	stream.indirect.gather [hbm4b:s9+s19], $0x80, s0, s19, $0xb8;
	[tilespmem:$0x1E500] =	vst v63  }
0x79: {  	_ = 	snop  }
0x7a: {  	[tilespmem:s21], [sflag:$0x5] =	stream.linear.gather [hbm4b:s12+s0], $0x80, $0x38;
	[tilespmem:$0x1E500] =	vst v63  }
0x7b: {  	_ = 	snop  }
0x7c: {  	[tilespmem:s22], [sflag:$0x2] =	stream.indirect.gather [hbm4b:s9+s19], $0x80, s19, s19, $0xb8;
	[tilespmem:$0x1E500] =	vst v63  }
0x7d: {  	_ = 	snop  }
0x7e: {  	[tilespmem:s23], [sflag:$0x6] =	stream.linear.gather [hbm4b:s14+s0], $0x80, $0x38;
	[tilespmem:$0x1E500] =	vst v63  }
0x7f: {  	_ =	swait.ge [sflag:s24], $0x4000  }
0x80: {  	[sflag:s24] =	ssyncset.done $0x0  }
0x81: {  	[sflag:s24] =	ssyncadd.s32 $0xFFFFC000  }
0x82: {  	_ =	swait.ge [sflag:s25], $0x80  }
0x83: {  	[sflag:s25] =	ssyncset.done $0x0  }
0x84: {  	s1 =	simm.s32 $0x20;
	[sflag:s25] =	ssyncadd.s32 $0xFFFFFF80  }
0x85: {  	[spmem:s3] =	stream.indirect.scatter.add.f32 [tilespmem:s20], [sflag:$0x3], $0x80, s21, s19, $0xb8;
	[tilespmem:$0x1E500] =	vst v63  }
0x86: {  	s2 =	sadd.s32 $0x0, s5;
	s8 =	sand.u32 $0x60, s1;
	_ =	swait.ge [sflag:s26], $0x4000  }
0x87: {  	s10 =	sadd.s32 $0x20, s2;
	s8 =	sadd.s32 s6, s8;
	[sflag:s26] =	ssyncset.done $0x0  }
0x88: {  	s10 =	sand.u32 $0xFF80, s10;
	s0 =	simm.s32 $0x100;
	[sflag:s26] =	ssyncadd.s32 $0xFFFFC000  }
0x89: {  	[tilespmem:s20], [sflag:$0x1] =	stream.indirect.gather [hbm4b:s9+s19], $0x80, s0, s19, $0xb8;
	[tilespmem:$0x1E500] =	vst v63  }
0x8a: {  	s8 =	sadd.s32 s10, s8  }
0x8b: {  	[tilespmem:s21], [sflag:$0x5] =	stream.linear.gather [hbm4b:s8+s4], $0x80, $0x38;
	[tilespmem:$0x1E500] =	vst v63  }
0x8c: {  	_ =	swait.ge [sflag:s28], $0x4000  }
0x8d: {  	[sflag:s28] =	ssyncset.done $0x0  }
0x8e: {  	[sflag:s28] =	ssyncadd.s32 $0xFFFFC000  }
0x8f: {  	_ =	swait.ge [sflag:s29], $0x80  }
0x90: {  	[sflag:s29] =	ssyncset.done $0x0  }
0x91: {  	s10 =	simm.s32 $0x30;
	[sflag:s29] =	ssyncadd.s32 $0xFFFFFF80  }
0x92: {  	[spmem:s3] =	stream.indirect.scatter.add.f32 [tilespmem:s22], [sflag:$0x4], $0x80, s23, s19, $0xb8;
	[tilespmem:$0x1E500] =	vst v63  }
0x93: {  	s2 =	sadd.s32 $0x30, s2;
	s8 =	sand.u32 $0x70, s10;
	_ =	swait.ge [sflag:s30], $0x4000  }
0x94: {  	s2 =	sand.u32 $0xFF80, s2;
	s8 =	sadd.s32 s6, s8;
	[sflag:s30] =	ssyncset.done $0x0  }
0x95: {  	s11 =	simm.s32 $0x180;
	s2 =	sadd.s32 s2, s8;
	[sflag:s30] =	ssyncadd.s32 $0xFFFFC000  }
0x96: {  	[tilespmem:s22], [sflag:$0x2] =	stream.indirect.gather [hbm4b:s9+s19], $0x80, s11, s19, $0xb8;
	[tilespmem:$0x1E500] =	vst v63  }
.LBB2_6:
0x97: {  	p1 =	sne.s32 s1, $0x4C0  }
0x98: {  	s0 =	sadd.s32 $0x100, s0;
	s8 =	smov.u32 s1;
	s1 =	sadd.s32 $0x20, s1  }
0x99: {  	[tilespmem:s23], [sflag:$0x6] =	stream.linear.gather [hbm4b:s2+s4], $0x80, $0x38;
	[tilespmem:$0x1E500] =	vst v63  }
0x9a: {  	s2 =	sand.u32 $0x60, s1;
	_ =	swait.ge [sflag:s24], $0x4000  }
0x9b: {  	[sflag:s24] =	ssyncset.done $0x0  }
0x9c: {  	[sflag:s24] =	ssyncadd.s32 $0xFFFFC000  }
0x9d: {  	_ =	swait.ge [sflag:s25], $0x80  }
0x9e: {  	[sflag:s25] =	ssyncset.done $0x0  }
0x9f: {  	[sflag:s25] =	ssyncadd.s32 $0xFFFFFF80  }
0xa0: {  	[spmem:s3] =	stream.indirect.scatter.add.f32 [tilespmem:s20], [sflag:$0x3], $0x80, s21, s19, $0xb8;
	[tilespmem:$0x1E500] =	vst v63  }
0xa1: {  	_ =	swait.ge [sflag:s26], $0x4000  }
0xa2: {  	s10 =	sadd.s32 s8, s5;
	[sflag:s26] =	ssyncset.done $0x0  }
0xa3: {  	s11 =	sadd.s32 $0x20, s10;
	s2 =	sadd.s32 s6, s2;
	[sflag:s26] =	ssyncadd.s32 $0xFFFFC000  }
0xa4: {  	[tilespmem:s20], [sflag:$0x1] =	stream.indirect.gather [hbm4b:s9+s19], $0x80, s0, s19, $0xb8;
	[tilespmem:$0x1E500] =	vst v63  }
0xa5: {  	s10 =	sadd.s32 $0x30, s10;
	s11 =	sand.u32 $0xFF80, s11  }
0xa6: {  	s10 =	sand.u32 $0xFF80, s10;
	s2 =	sadd.s32 s11, s2  }
0xa7: {  	[tilespmem:s21], [sflag:$0x5] =	stream.linear.gather [hbm4b:s2+s4], $0x80, $0x38;
	[tilespmem:$0x1E500] =	vst v63  }
0xa8: {  	_ =	swait.ge [sflag:s28], $0x4000  }
0xa9: {  	[sflag:s28] =	ssyncset.done $0x0  }
0xaa: {  	[sflag:s28] =	ssyncadd.s32 $0xFFFFC000  }
0xab: {  	_ =	swait.ge [sflag:s29], $0x80  }
0xac: {  	[sflag:s29] =	ssyncset.done $0x0  }
0xad: {  	s2 =	sadd.s32 $0x30, s8;
	[sflag:s29] =	ssyncadd.s32 $0xFFFFFF80  }
0xae: {  	[spmem:s3] =	stream.indirect.scatter.add.f32 [tilespmem:s22], [sflag:$0x4], $0x80, s23, s19, $0xb8;
	[tilespmem:$0x1E500] =	vst v63  }
.Ltmp5:
0xaf: {  	_ = 	snop;
	(pc) =	sbr.rel @p1 .LBB2_6-.Ltmp5, $4  }
0xb0: {  	s2 =	sand.u32 $0x70, s2;
	_ =	swait.ge [sflag:s30], $0x4000  }
0xb1: {  	s8 =	sadd.s32 $0x80, s0;
	s2 =	sadd.s32 s6, s2;
	[sflag:s30] =	ssyncset.done $0x0  }
0xb2: {  	s2 =	sadd.s32 s10, s2;
	[sflag:s30] =	ssyncadd.s32 $0xFFFFC000  }
0xb3: {  	[tilespmem:s22], [sflag:$0x2] =	stream.indirect.gather [hbm4b:s9+s19], $0x80, s8, s19, $0xb8;
	[tilespmem:$0x1E500] =	vst v63  }
.Ltmp6:
0xb4: {  	_ = 	snop;
	(pc) =	sbr.rel .LBB2_7-.Ltmp6, $1  }
0xb5: {  	_ =	sdelay $0x3  }
.LBB2_9:
0xb6: {  	_ =	sfence.sel $0x180000  }
0xb7: {  	[bflag:$0x0] =	sbarrier.arrive $0xFFFF  }
0xb8: {  	_ =	strace $0x9000004D  }
0xb9: {  	s0 =	stileid.u32;
	[bflag:$0x2] =	sbarrier.arrive $0xFFFF  }
0xba: {  	p0 =	sne.s32 s0, $0x0;
	s0 =	rddreg [dreg:$0x3]  }
0xbb: {  	s0 =	sadd.s32 @!p0 $0x100000, s0  }
0xbc: {  	[sflag:s0] =	ssyncadd.tile.s32 @!p0 $0x1;
	_ =	shalt  }
.Lfunc_end2:
_tile_overlayer_lowered:
.L_overlay_start_2:
0xbd: {  	(tag) =	ssettag $0x2  }
0xbe: {  	s0 =	rddreg [dreg:$0x0];
	s2 =	stileid.u32  }
0xbf: {  	s1 =	rddreg [dreg:$0x1];
	p0 =	sne.s32 s2, $0x0  }
0xc0: {  	s3 =	rddreg [dreg:$0x2];
	[bflag:$0x3] =	sbarrier.arrive $0xFFFF;
	s2 =	simm.s32 @!p0 $0x1C07  }
0xc1: {  	[timem:s3], [sflag:s2] =	dma.local @!p0 [hbm:s0], s1  }
0xc2: {  	s0 =	simm.s32 @!p0 $0x7  }
0xc3: {  	_ =	swait.ge @!p0 [sflag:s0], s1  }
0xc4: {  	s1 =	ssub.s32 @!p0 $0x0, s1;
	[sflag:s0] =	ssyncset.done @!p0 $0x0  }
0xc5: {  	[sflag:s0] =	ssyncadd.s32 @!p0 s1  }
0xc6: {  	[bflag:$0x3] =	sbarrier.arrive $0xFFFF  }
0xc7: {  	_ =	shalt  }

// kernel: kernel.9.cloned.1.call-start
scs
__scs_entry_jumppad:
0x0: {  	(pc) =	sbr.rel $0x88, $3  }
0x1: {  	(tag) =	ssettag $0x0;
	lr =	simm.s32 $0x1  }
0x2: {  	[smem:$0x3F9B] =	sst lr;
	_ =	strace $0xD0000000  }
0x3: {  	_ = 	snop  }
0x4: {  	_ = 	snop  }
0x5: {  	_ = 	snop  }
0x6: {  	_ = 	snop  }
0x7: {  	_ = 	snop  }
__scs_overlays_trampoline_lowered:
0x8: {  	[smem:$0x3FAA] =	sst s0  }
0x9: {  	[smem:$0x3FAB] =	sst s1  }
0xa: {  	[smem:$0x3FAC] =	sst s2  }
0xb: {  	[smem:$0x3FAD] =	sst s3  }
0xc: {  	[smem:$0x3FAE] =	sst s4  }
0xd: {  	[smem:$0x3FAF] =	sst s5  }
0xe: {  	[smem:$0x3FB0] =	sst s6  }
0xf: {  	[smem:$0x3FB1] =	sst s7  }
0x10: {  	[smem:$0x3FB2] =	sst s8  }
0x11: {  	[smem:$0x3FB3] =	sst s9;
	s0 =	simm.s32 @!p0 $0x0  }
0x12: {  	s1 =	sld [smem:$0x3F99];
	s0 =	simm.s32 @p0 $0x1  }
0x13: {  	[smem:$0x3FB4] =	sst s0;
	s0 =	simm.s32 @!p1 $0x0  }
0x14: {  	s2 =	sld [smem:$0x3F98];
	s0 =	simm.s32 @p1 $0x1  }
0x15: {  	[smem:$0x3FB5] =	sst s0;
	s0 =	simm.s32 @!p2 $0x0  }
0x16: {  	s3 =	sld [smem:$0x3FDB];
	s0 =	simm.s32 @p2 $0x1  }
0x17: {  	s4 =	simm.s32 $0x1BF5;
	[smem:$0x3FB7] =	sst s0  }
0x18: {  	s0 =	sld [smem:$0x3F9A];
	_ =	swait.ge [sflag:s4], $0x0  }
0x19: {  	s7 =	sld [smem:$0x3F9B]  }
0x1a: {  	s8 =	sadd.s32 $0xFFFFE003, lr  }
0x1b: {  	s9 =	sadd.s32 $0xFFFFFEF7, lr;
	s5 =	simm.s32 $0xFFFFFFFF;
	p2 =	slt.u32 s8, $0xFFFFF086  }
0x1c: {  	p1 =	slt.u32 s9, $0xF7A;
	s5 =	simm.s32 @!p2 $0x0  }
0x1d: {  	s5 =	simm.s32 @p1 $0x1;
	p0 =	seq.s32 s7, s2  }
0x1e: {  	s7 =	smul.u32 @!p0 $0xF7A, s2;
	p2 =	seq.s32 @!p0 s5, $0x0  }
0x1f: {  	s9 =	smul.u32 $0xF7A, s1;
	s8 =	simm.s32 @!p0 $0x1BF5;
	p2 =	por !p2, p0  }
0x20: {  	[sflag:s8] =	ssyncset.s32 @!p0 $0xFFFFF086;
	s6 =	sadd.s32 @!p0 s3, s7;
	s7 =	simm.s32 @!p0 $0x108  }
0x21: {  	s3 =	sadd.s32 s3, s9;
	s6 =	sadd.s32 @!p0 $0x88, s6;
	s7 =	simm.s32 @p2 $0x1082  }
0x22: {  	[simem:s7], [sflag:s8] =	dma.local @!p0 [hbm:s6], $0xF7A  }
0x23: {  	s9 =	sor.u32 $0xD0000000, s2;
	s6 =	simm.s32 $0x108;
	_ =	swait.ge @!p0 [sflag:s8], $0x0  }
0x24: {  	s3 =	sadd.s32 $0x88, s3;
	s6 =	simm.s32 @!p1 $0x1082;
	[sflag:s4] =	ssyncset.s32 $0xFFFFF086  }
0x25: {  	[simem:s6], [sflag:s4] =	dma.local [hbm:s3], $0xF7A  }
0x26: {  	[smem:$0x3F9B] =	sst s1;
	(tag) =	ssettag s2;
	_ =	strace s9  }
0x27: {  	s1 =	sld [smem:$0x3FAB]  }
0x28: {  	s2 =	sld [smem:$0x3FAC]  }
0x29: {  	s4 =	sld [smem:$0x3FAE]  }
0x2a: {  	p0 =	seq.s32 s5, $0x0;
	s5 =	sld [smem:$0x3FAF]  }
0x2b: {  	s6 =	sld [smem:$0x3FB0]  }
0x2c: {  	s7 =	sld [smem:$0x3FB1]  }
0x2d: {  	s3 =	simm.s32 $0x108;
	s8 =	sld [smem:$0x3FB2]  }
0x2e: {  	s3 =	simm.s32 @!p0 $0x1082;
	s9 =	sld [smem:$0x3FB3]  }
0x2f: {  	lr =	sadd.s32 s0, s3;
	s0 =	sld [smem:$0x3FAA]  }
0x30: {  	s3 =	sld [smem:$0x3FAD]  }
0x31: {  	[smem:$0x3FB6] =	sst s10  }
0x32: {  	s10 =	sld [smem:$0x3FB4];
	_ =	sdelay $0x3  }
0x33: {  	p0 =	seq.s32 s10, $0x1;
	s10 =	sld [smem:$0x3FB6];
	_ =	sdelay $0x3  }
0x34: {  	[smem:$0x3FB6] =	sst s10  }
0x35: {  	s10 =	sld [smem:$0x3FB5];
	_ =	sdelay $0x3  }
0x36: {  	p1 =	seq.s32 s10, $0x1;
	s10 =	sld [smem:$0x3FB6];
	_ =	sdelay $0x3  }
0x37: {  	[smem:$0x3FB6] =	sst s10  }
0x38: {  	s10 =	sld [smem:$0x3FB7]  }
0x39: {  	_ = 	snop;
	(pc) =	sbr.ind lr, $3  }
0x3a: {  	_ = 	snop  }
0x3b: {  	_ = 	snop  }
0x3c: {  	p2 =	seq.s32 s10, $0x1;
	s10 =	sld [smem:$0x3FB6]  }
0x3d: {  	_ =	shalt  }
0x3e: {  	_ =	shalt  }
0x3f: {  	_ =	shalt  }
0x40: {  	_ =	shalt  }
0x41: {  	_ =	shalt  }
0x42: {  	_ =	shalt  }
0x43: {  	_ =	shalt  }
0x44: {  	_ =	shalt  }
0x45: {  	_ =	shalt  }
0x46: {  	_ =	shalt  }
0x47: {  	_ =	shalt  }
0x48: {  	_ =	shalt  }
0x49: {  	_ =	shalt  }
0x4a: {  	_ =	shalt  }
0x4b: {  	_ =	shalt  }
0x4c: {  	_ =	shalt  }
0x4d: {  	_ =	shalt  }
0x4e: {  	_ =	shalt  }
0x4f: {  	_ =	shalt  }
0x50: {  	_ =	shalt  }
0x51: {  	_ =	shalt  }
0x52: {  	_ =	shalt  }
0x53: {  	_ =	shalt  }
0x54: {  	_ =	shalt  }
0x55: {  	_ =	shalt  }
0x56: {  	_ =	shalt  }
0x57: {  	_ =	shalt  }
0x58: {  	_ =	shalt  }
0x59: {  	_ =	shalt  }
0x5a: {  	_ =	shalt  }
0x5b: {  	_ =	shalt  }
0x5c: {  	_ =	shalt  }
0x5d: {  	_ =	shalt  }
0x5e: {  	_ =	shalt  }
0x5f: {  	_ =	shalt  }
0x60: {  	_ =	shalt  }
0x61: {  	_ =	shalt  }
0x62: {  	_ =	shalt  }
0x63: {  	_ =	shalt  }
0x64: {  	_ =	shalt  }
0x65: {  	_ =	shalt  }
0x66: {  	_ =	shalt  }
0x67: {  	_ =	shalt  }
0x68: {  	_ =	shalt  }
0x69: {  	_ =	shalt  }
0x6a: {  	_ =	shalt  }
0x6b: {  	_ =	shalt  }
0x6c: {  	_ =	shalt  }
0x6d: {  	_ =	shalt  }
0x6e: {  	_ =	shalt  }
0x6f: {  	_ =	shalt  }
0x70: {  	_ =	shalt  }
0x71: {  	_ =	shalt  }
0x72: {  	_ =	shalt  }
0x73: {  	_ =	shalt  }
0x74: {  	_ =	shalt  }
0x75: {  	_ =	shalt  }
0x76: {  	_ =	shalt  }
0x77: {  	_ =	shalt  }
0x78: {  	_ =	shalt  }
0x79: {  	_ =	shalt  }
0x7a: {  	_ =	shalt  }
0x7b: {  	_ =	shalt  }
0x7c: {  	_ =	shalt  }
0x7d: {  	_ =	shalt  }
0x7e: {  	_ =	shalt  }
0x7f: {  	_ =	shalt  }
0x80: {  	_ =	shalt  }
0x81: {  	_ =	shalt  }
0x82: {  	_ =	shalt  }
0x83: {  	_ =	shalt  }
0x84: {  	_ =	shalt  }
0x85: {  	_ =	shalt  }
0x86: {  	_ =	shalt  }
0x87: {  	_ =	shalt  }
.Lfunc_end0:
.L_simem_size_0:
called_computation_lowered:
.L_overlay_start_0:
0x88: {  	s2 =	sld [smem:$0x3FD9]  }
0x89: {  	s3 =	sld [smem:$0x3FFE];
	_ =	sdelay $0x1  }
0x8a: {  	s1 =	srdreg.scid  }
0x8b: {  	s0 =	sand.u32 $0x1, s1  }
0x8c: {  	s16 =	sshll.u32 s0, $0xA;
	s2 =	sadd.s32 s3, s2  }
0x8d: {  	s2 =	sadd.s32 s2, s16  }
0x8e: {  	[smem:$0x3FC2] =	sst s2  }
0x8f: {  	_ = 	snop  }
0x90: {  	(tm) =	ssettm $0x1  }
0x91: {  	s17 =	sld [smem:$0x3FFB];
	_ =	sdelay $0x3  }
0x92: {  	_ =	strace s17  }
0x93: {  	s2 =	sld [smem:$0x3FFC];
	_ =	sdelay $0x3  }
0x94: {  	_ =	strace s2  }
0x95: {  	s2 =	sld [smem:$0x3FFD];
	_ =	sdelay $0x3  }
0x96: {  	_ =	strace s2  }
0x97: {  	_ =	strace $0x8FFFFFFF  }
0x98: {  	s18 =	sld [smem:$0x3FDB];
	_ =	sdelay $0x1  }
0x99: {  	s19 =	simm.s32 $_scs_section_size  }
0x9a: {  	s4 =	simm.s32 $_size__tile_overlayer_lowered;
	s5 =	simm.s32 $_tile_overlayer_lowered  }
0x9b: {  	s22 =	simm.s32 $0x1BFF;
	s21 =	sshll.u32 s5, $0x1;
	s2 =	sadd.s32 s19, s18  }
0x9c: {  	s6 =	simm.s32 $0x0;
	s20 =	sshll.u32 s4, $0x1;
	s4 =	sadd.s32 s21, s2  }
0x9d: {  	[timem:s6], [sflag:s22] =	dma.local [hbm:s4], s20  }
0x9e: {  	_ =	swait.ge [sflag:s22], s20  }
0x9f: {  	s3 =	ssub.s32 $0x0, s20;
	[sflag:s22] =	ssyncset.done $0x0  }
0xa0: {  	[sflag:s22] =	ssyncadd.s32 s3;
	_ =	sdelay $0x1  }
0xa1: {  	s23 =	simm.s32 $0x1B8B  }
0xa2: {  	_ =	swait.ge [sflag:s23], $0x1  }
0xa3: {  	[sflag:s23] =	ssyncset.done $0x0  }
0xa4: {  	s25 =	simm.s32 $0x1B8E;
	s24 =	sld [smem:$0x3FFE];
	[sflag:s23] =	ssyncadd.s32 $0xFFFFFFFF  }
0xa5: {  	s26 =	simm.s32 $execute0_lowered;
	[smem:$0x3FD2] =	sst s25  }
0xa6: {  	s4 =	sshll.u32 s26, $0x1;
	_ =	strace $0x80000046;
	[dreg:$0x1] =	wrdreg $0xFFFFFFFF  }
0xa7: {  	s28 =	simm.s32 $_size_execute0_lowered;
	s2 =	sadd.s32 s2, s4;
	[dreg:$0x0] =	wrdreg $0x0  }
0xa8: {  	s4 =	sshll.u32 s28, $0x1;
	[dreg:$0x2] =	wrdreg s2  }
0xa9: {  	[dreg:$0x3] =	wrdreg s4  }
0xaa: {  	[dreg:$0x4] =	wrdreg $0xC0  }
0xab: {  	_ =	task [dreg:s6], $0x5FFFF  }
0xac: {  	[dreg:$0x1] =	wrdreg $0xFFFFFFFF  }
0xad: {  	[dreg:$0x0] =	wrdreg $0x60  }
0xae: {  	[dreg:$0x2] =	wrdreg s24  }
0xaf: {  	[dreg:$0x3] =	wrdreg $0x54000  }
0xb0: {  	[dreg:$0x4] =	wrdreg $0x9  }
0xb1: {  	_ =	task.clear_ibuf [dreg:s6], $0x5FFFF;
	_ =	strace $0x90000046  }
0xb2: {  	s29 =	simm.s32 $0x9;
	_ =	strace $0x80000048  }
0xb3: {  	_ =	swait.ge [sflag:s29], $0x1  }
0xb4: {  	[sflag:s29] =	ssyncadd.s32 $0xFFFFFFFF  }
0xb5: {  	_ =	strace $0x90000048  }
0xb6: {  	_ =	sfence  }
0xb7: {  	s30 =	sld [smem:$0x0];
	_ =	sdelay $0x2  }
0xb8: {  	s31 =	sshll.u32 s1, $0xD;
	s1 =	sshrl.u32 s1, $0x2  }
0xb9: {  	s3 =	sand.u32 $0x4000, s31;
	s1 =	sadd.s32 s1, s30  }
0xba: {  	s0 =	sor.u32 s3, s0;
	s1 =	sshll.u32 s1, $0x11  }
0xbb: {  	s0 =	sor.u32 s1, s0  }
0xbc: {  	s0 =	sadd.s32 $0x8F2B, s0  }
0xbd: {  	[sflag:s0] =	ssyncadd.remote.s32 $0x1  }
0xbe: {  	_ =	sfence.sel $0xFFFF  }
0xbf: {  	[dreg:$0x0] =	wrdreg $0xFFFFFFFF;
	(pc) =	sbr.abs _section_cstart, $3  }
0xc0: {  	[dreg:$0x1] =	wrdreg $0xFFFFFFFF  }
0xc1: {  	_ =	task.clear_ibuf [dreg:s6], $0x2FFFF;
	_ =	strace $0x9FFFFFFF  }
0xc2: {  	(tm) =	ssettm $0x7FFFFFFF  }
0xc3: {  	_ =	shalt  }
tec
execute0_lowered:
.L_overlay_start_1:
0x0: {  	(tag) =	ssettag $0x1  }
0x1: {  	s0 =	srdreg.scid;
	s5 =	rddreg [dreg:$0x0]  }
0x2: {  	s10 =	stileid.u32;
	s2 =	rddreg [dreg:$0x1]  }
0x3: {  	s3 =	simm.s32 $0x0;
	s9 =	simm.s32 $0x4000;
	s13 =	simm.s32 $0x80  }
0x4: {  	s18 =	simm.s32 $0x4C00;
	s19 =	simm.s32 $0x4C80;
	s20 =	simm.s32 $0x4D00  }
0x5: {  	s21 =	simm.s32 $0x4D80;
	s22 =	simm.s32 $0x4E00;
	s23 =	simm.s32 $0x4E80  }
0x6: {  	s28 =	simm.s32 $0x5080;
	s29 =	simm.s32 $0x5100;
	s30 =	simm.s32 $0x5180  }
0x7: {  	s31 =	simm.s32 $0x5200;
	s14 =	simm.s32 $0x5380;
	s15 =	simm.s32 $0x1  }
0x8: {  	s16 =	simm.s32 $0x0;
	s0 =	sand.u32 $0x1, s0;
	s6 =	smul.u32 $0x2780, s10  }
0x9: {  	[smem:$0x7FF] =	sst s3;
	s4 =	sadd.s32 $0xE200, s5;
	s8 =	smul.u32 $0x4F000, s10  }
0xa: {  	s26 =	sshll.u32 s10, $0x6;
	s1 =	sshll.u32 s0, $0x4;
	s7 =	smul.u32 $0x27800, s0  }
0xb: {  	_ =	strace $0x80000047;
	s0 =	ssub.s32 $0x2, s0;
	s11 =	sor.u32 $0x1C02, s26  }
0xc: {  	s26 =	simm.s32 $0x5000;
	s1 =	sor.u32 s10, s1;
	s24 =	sshrl.u32 s0, $0x1  }
0xd: {  	s25 =	sshrl.u32 s8, $0x2;
	s10 =	simm.s32 $0x2;
	s1 =	smul.u32 $0x280, s1  }
0xe: {  	s7 =	sadd.s32 s6, s7;
	s6 =	sadd.s32 s6, s5;
	s0 =	ssub.s32 s0, s24  }
0xf: {  	s24 =	simm.s32 $0x4F00;
	s7 =	sadd.s32 s7, s5;
	s6 =	sadd.s32 $0xEA00, s6  }
0x10: {  	s8 =	smax.u32 s0, $0x1;
	s0 =	simm.s32 $0x5300;
	s1 =	sadd.s32 s1, s5  }
0x11: {  	s7 =	sadd.s32 $0x36200, s7;
	s5 =	sadd.s32 $0x4200, s1;
	s1 =	sadd.s32 s25, s2  }
0x12: {  	s25 =	simm.s32 $0x4F80;
	s12 =	sshrl.u32 s1, $0x3;
	s1 =	simm.s32 $0x5280  }
.LBB2_1:
0x13: {  	[tilespmem:s9], [sflag:$0x2] =	stream.linear.gather [hbm4b:s5+s3], $0x1400, $0x38;
	[tilespmem:$0x19000] =	vst v63  }
0x14: {  	_ =	swait.ge [sflag:s10], $0x1400  }
0x15: {  	[sflag:s10] =	ssyncset.done $0x0  }
0x16: {  	[sflag:s10] =	ssyncadd.s32 $0xFFFFEC00  }
0x17: {  	[spmem:s12], [sflag:s11] =	dma.local [hbm:s6], $0x2780  }
0x18: {  	_ =	swait.ge [sflag:s10], $0x2780  }
0x19: {  	[sflag:s10] =	ssyncset.done $0x0  }
0x1a: {  	[sflag:s10] =	ssyncadd.s32 $0xFFFFD880  }
0x1b: {  	[tilespmem:s3], [sflag:$0x2] =	stream.linear.gather [hbm4b:s4+s3], $0x4000, $0x38;
	[tilespmem:$0x19000] =	vst v63  }
0x1c: {  	_ =	swait.ge [sflag:s10], $0x4000  }
0x1d: {  	[sflag:s10] =	ssyncset.done $0x0  }
0x1e: {  	[sflag:s10] =	ssyncadd.s32 $0xFFFFC000  }
0x1f: {  	[bflag:$0x0] =	sbarrier.arrive $0xFFFF  }
0x20: {  	[spmem:s2] =	stream.indirect.scatter.add.f32 [tilespmem:s3], [sflag:$0x1], $0x80, s9, s13, $0xb8;
	[tilespmem:$0x19000] =	vst v63  }
0x21: {  	s17 =	simm.s32 $0x4080  }
0x22: {  	[spmem:s2] =	stream.indirect.scatter.add.f32 [tilespmem:s3], [sflag:$0x1], $0x80, s17, s13, $0xb8;
	[tilespmem:$0x19000] =	vst v63  }
0x23: {  	s17 =	simm.s32 $0x4100  }
0x24: {  	[spmem:s2] =	stream.indirect.scatter.add.f32 [tilespmem:s3], [sflag:$0x1], $0x80, s17, s13, $0xb8;
	[tilespmem:$0x19000] =	vst v63  }
0x25: {  	s17 =	simm.s32 $0x4180  }
0x26: {  	[spmem:s2] =	stream.indirect.scatter.add.f32 [tilespmem:s3], [sflag:$0x1], $0x80, s17, s13, $0xb8;
	[tilespmem:$0x19000] =	vst v63  }
0x27: {  	s17 =	simm.s32 $0x4200  }
0x28: {  	[spmem:s2] =	stream.indirect.scatter.add.f32 [tilespmem:s3], [sflag:$0x1], $0x80, s17, s13, $0xb8;
	[tilespmem:$0x19000] =	vst v63  }
0x29: {  	s17 =	simm.s32 $0x4280  }
0x2a: {  	[spmem:s2] =	stream.indirect.scatter.add.f32 [tilespmem:s3], [sflag:$0x1], $0x80, s17, s13, $0xb8;
	[tilespmem:$0x19000] =	vst v63  }
0x2b: {  	s17 =	simm.s32 $0x4300  }
0x2c: {  	[spmem:s2] =	stream.indirect.scatter.add.f32 [tilespmem:s3], [sflag:$0x1], $0x80, s17, s13, $0xb8;
	[tilespmem:$0x19000] =	vst v63  }
0x2d: {  	s17 =	simm.s32 $0x4380  }
0x2e: {  	[spmem:s2] =	stream.indirect.scatter.add.f32 [tilespmem:s3], [sflag:$0x1], $0x80, s17, s13, $0xb8;
	[tilespmem:$0x19000] =	vst v63  }
0x2f: {  	s17 =	simm.s32 $0x4400  }
0x30: {  	[spmem:s2] =	stream.indirect.scatter.add.f32 [tilespmem:s3], [sflag:$0x1], $0x80, s17, s13, $0xb8;
	[tilespmem:$0x19000] =	vst v63  }
0x31: {  	s17 =	simm.s32 $0x4480  }
0x32: {  	[spmem:s2] =	stream.indirect.scatter.add.f32 [tilespmem:s3], [sflag:$0x1], $0x80, s17, s13, $0xb8;
	[tilespmem:$0x19000] =	vst v63  }
0x33: {  	s17 =	simm.s32 $0x4500  }
0x34: {  	[spmem:s2] =	stream.indirect.scatter.add.f32 [tilespmem:s3], [sflag:$0x1], $0x80, s17, s13, $0xb8;
	[tilespmem:$0x19000] =	vst v63  }
0x35: {  	s17 =	simm.s32 $0x4580  }
0x36: {  	[spmem:s2] =	stream.indirect.scatter.add.f32 [tilespmem:s3], [sflag:$0x1], $0x80, s17, s13, $0xb8;
	[tilespmem:$0x19000] =	vst v63  }
0x37: {  	s17 =	simm.s32 $0x4600  }
0x38: {  	[spmem:s2] =	stream.indirect.scatter.add.f32 [tilespmem:s3], [sflag:$0x1], $0x80, s17, s13, $0xb8;
	[tilespmem:$0x19000] =	vst v63  }
0x39: {  	s17 =	simm.s32 $0x4680  }
0x3a: {  	[spmem:s2] =	stream.indirect.scatter.add.f32 [tilespmem:s3], [sflag:$0x1], $0x80, s17, s13, $0xb8;
	[tilespmem:$0x19000] =	vst v63  }
0x3b: {  	s17 =	simm.s32 $0x4700  }
0x3c: {  	[spmem:s2] =	stream.indirect.scatter.add.f32 [tilespmem:s3], [sflag:$0x1], $0x80, s17, s13, $0xb8;
	[tilespmem:$0x19000] =	vst v63  }
0x3d: {  	s17 =	simm.s32 $0x4780  }
0x3e: {  	[spmem:s2] =	stream.indirect.scatter.add.f32 [tilespmem:s3], [sflag:$0x1], $0x80, s17, s13, $0xb8;
	[tilespmem:$0x19000] =	vst v63  }
0x3f: {  	s17 =	simm.s32 $0x4800  }
0x40: {  	[spmem:s2] =	stream.indirect.scatter.add.f32 [tilespmem:s3], [sflag:$0x1], $0x80, s17, s13, $0xb8;
	[tilespmem:$0x19000] =	vst v63  }
0x41: {  	s17 =	simm.s32 $0x4880  }
0x42: {  	[spmem:s2] =	stream.indirect.scatter.add.f32 [tilespmem:s3], [sflag:$0x1], $0x80, s17, s13, $0xb8;
	[tilespmem:$0x19000] =	vst v63  }
0x43: {  	s17 =	simm.s32 $0x4900  }
0x44: {  	[spmem:s2] =	stream.indirect.scatter.add.f32 [tilespmem:s3], [sflag:$0x1], $0x80, s17, s13, $0xb8;
	[tilespmem:$0x19000] =	vst v63  }
0x45: {  	s17 =	simm.s32 $0x4980  }
0x46: {  	[spmem:s2] =	stream.indirect.scatter.add.f32 [tilespmem:s3], [sflag:$0x1], $0x80, s17, s13, $0xb8;
	[tilespmem:$0x19000] =	vst v63  }
0x47: {  	s17 =	simm.s32 $0x4A00  }
0x48: {  	[spmem:s2] =	stream.indirect.scatter.add.f32 [tilespmem:s3], [sflag:$0x1], $0x80, s17, s13, $0xb8;
	[tilespmem:$0x19000] =	vst v63  }
0x49: {  	s17 =	simm.s32 $0x4A80  }
0x4a: {  	[spmem:s2] =	stream.indirect.scatter.add.f32 [tilespmem:s3], [sflag:$0x1], $0x80, s17, s13, $0xb8;
	[tilespmem:$0x19000] =	vst v63  }
0x4b: {  	s17 =	simm.s32 $0x4B00  }
0x4c: {  	[spmem:s2] =	stream.indirect.scatter.add.f32 [tilespmem:s3], [sflag:$0x1], $0x80, s17, s13, $0xb8;
	[tilespmem:$0x19000] =	vst v63  }
0x4d: {  	s17 =	simm.s32 $0x4B80  }
0x4e: {  	[spmem:s2] =	stream.indirect.scatter.add.f32 [tilespmem:s3], [sflag:$0x1], $0x80, s17, s13, $0xb8;
	[tilespmem:$0x19000] =	vst v63  }
0x4f: {  	_ = 	snop  }
0x50: {  	[spmem:s2] =	stream.indirect.scatter.add.f32 [tilespmem:s3], [sflag:$0x1], $0x80, s18, s13, $0xb8;
	[tilespmem:$0x19000] =	vst v63  }
0x51: {  	_ = 	snop  }
0x52: {  	[spmem:s2] =	stream.indirect.scatter.add.f32 [tilespmem:s3], [sflag:$0x1], $0x80, s19, s13, $0xb8;
	[tilespmem:$0x19000] =	vst v63  }
0x53: {  	_ = 	snop  }
0x54: {  	[spmem:s2] =	stream.indirect.scatter.add.f32 [tilespmem:s3], [sflag:$0x1], $0x80, s20, s13, $0xb8;
	[tilespmem:$0x19000] =	vst v63  }
0x55: {  	_ = 	snop  }
0x56: {  	[spmem:s2] =	stream.indirect.scatter.add.f32 [tilespmem:s3], [sflag:$0x1], $0x80, s21, s13, $0xb8;
	[tilespmem:$0x19000] =	vst v63  }
0x57: {  	_ = 	snop  }
0x58: {  	[spmem:s2] =	stream.indirect.scatter.add.f32 [tilespmem:s3], [sflag:$0x1], $0x80, s22, s13, $0xb8;
	[tilespmem:$0x19000] =	vst v63  }
0x59: {  	_ = 	snop  }
0x5a: {  	[spmem:s2] =	stream.indirect.scatter.add.f32 [tilespmem:s3], [sflag:$0x1], $0x80, s23, s13, $0xb8;
	[tilespmem:$0x19000] =	vst v63  }
0x5b: {  	_ = 	snop  }
0x5c: {  	[spmem:s2] =	stream.indirect.scatter.add.f32 [tilespmem:s3], [sflag:$0x1], $0x80, s24, s13, $0xb8;
	[tilespmem:$0x19000] =	vst v63  }
0x5d: {  	_ = 	snop  }
0x5e: {  	[spmem:s2] =	stream.indirect.scatter.add.f32 [tilespmem:s3], [sflag:$0x1], $0x80, s25, s13, $0xb8;
	[tilespmem:$0x19000] =	vst v63  }
0x5f: {  	_ = 	snop  }
0x60: {  	[spmem:s2] =	stream.indirect.scatter.add.f32 [tilespmem:s3], [sflag:$0x1], $0x80, s26, s13, $0xb8;
	[tilespmem:$0x19000] =	vst v63  }
0x61: {  	_ = 	snop  }
0x62: {  	[spmem:s2] =	stream.indirect.scatter.add.f32 [tilespmem:s3], [sflag:$0x1], $0x80, s28, s13, $0xb8;
	[tilespmem:$0x19000] =	vst v63  }
0x63: {  	_ = 	snop  }
0x64: {  	[spmem:s2] =	stream.indirect.scatter.add.f32 [tilespmem:s3], [sflag:$0x1], $0x80, s29, s13, $0xb8;
	[tilespmem:$0x19000] =	vst v63  }
0x65: {  	_ = 	snop  }
0x66: {  	[spmem:s2] =	stream.indirect.scatter.add.f32 [tilespmem:s3], [sflag:$0x1], $0x80, s30, s13, $0xb8;
	[tilespmem:$0x19000] =	vst v63  }
0x67: {  	_ = 	snop  }
0x68: {  	[spmem:s2] =	stream.indirect.scatter.add.f32 [tilespmem:s3], [sflag:$0x1], $0x80, s31, s13, $0xb8;
	[tilespmem:$0x19000] =	vst v63  }
0x69: {  	_ = 	snop  }
0x6a: {  	[spmem:s2] =	stream.indirect.scatter.add.f32 [tilespmem:s3], [sflag:$0x1], $0x80, s1, s13, $0xb8;
	[tilespmem:$0x19000] =	vst v63  }
0x6b: {  	_ = 	snop  }
0x6c: {  	[spmem:s2] =	stream.indirect.scatter.add.f32 [tilespmem:s3], [sflag:$0x1], $0x80, s0, s13, $0xb8;
	[tilespmem:$0x19000] =	vst v63  }
0x6d: {  	_ = 	snop  }
0x6e: {  	[spmem:s2] =	stream.indirect.scatter.add.f32 [tilespmem:s3], [sflag:$0x1], $0x80, s14, s13, $0xb8;
	[tilespmem:$0x19000] =	vst v63  }
0x6f: {  	_ =	swait.ge [sflag:s15], $0x4000  }
0x70: {  	s17 =	simm.s32 $0x27;
	[sflag:s15] =	ssyncset.done $0x0  }
.LBB2_2:
0x71: {  	p0 =	sne.s32 s17, $0x1;
	s17 =	sadd.s32 $0xFFFFFFFF, s17;
	[sflag:s15] =	ssyncadd.s32 $0xFFFFC000  }
.Ltmp0:
0x72: {  	(pc) =	sbr.rel @p0 .LBB2_2-.Ltmp0, $3  }
0x73: {  	_ =	sdelay $0x1  }
0x74: {  	_ =	swait.ge [sflag:s15], $0x4000  }
0x75: {  	[sflag:s15] =	ssyncset.done $0x0  }
0x76: {  	s16 =	sadd.s32 $0x1, s16  }
0x77: {  	[sflag:s15] =	ssyncadd.s32 $0xFFFFC000;
	p0 =	sne.s32 s16, s8  }
.Ltmp1:
0x78: {  	[bflag:$0x0] =	sbarrier.arrive $0xFFFF;
	(pc) =	sbr.rel @p0 .LBB2_1-.Ltmp1, $4  }
0x79: {  	[hbm:s7], [sflag:s11] =	dma.local [spmem:s12], $0x2780  }
0x7a: {  	_ =	swait.ge [sflag:s10], $0x2780  }
0x7b: {  	[sflag:s10] =	ssyncset.done $0x0  }
0x7c: {  	[sflag:s10] =	ssyncadd.s32 $0xFFFFD880  }
0x7d: {  	_ =	sfence.sel $0x180000  }
0x7e: {  	[bflag:$0x0] =	sbarrier.arrive $0xFFFF  }
0x7f: {  	_ =	strace $0x90000047  }
0x80: {  	s0 =	stileid.u32;
	[bflag:$0x2] =	sbarrier.arrive $0xFFFF  }
0x81: {  	p0 =	sne.s32 s0, $0x0;
	s0 =	rddreg [dreg:$0x2]  }
0x82: {  	s0 =	sadd.s32 @!p0 $0x100000, s0  }
0x83: {  	[sflag:s0] =	ssyncadd.tile.s32 @!p0 $0x1;
	_ =	shalt  }
.Lfunc_end2:
_tile_overlayer_lowered:
.L_overlay_start_2:
0x84: {  	(tag) =	ssettag $0x2  }
0x85: {  	s0 =	rddreg [dreg:$0x0];
	s2 =	stileid.u32  }
0x86: {  	s1 =	rddreg [dreg:$0x1];
	p0 =	sne.s32 s2, $0x0  }
0x87: {  	s3 =	rddreg [dreg:$0x2];
	[bflag:$0x3] =	sbarrier.arrive $0xFFFF;
	s2 =	simm.s32 @!p0 $0x1C02  }
0x88: {  	[timem:s3], [sflag:s2] =	dma.local @!p0 [hbm:s0], s1  }
0x89: {  	s0 =	simm.s32 @!p0 $0x2  }
0x8a: {  	_ =	swait.ge @!p0 [sflag:s0], s1  }
0x8b: {  	s1 =	ssub.s32 @!p0 $0x0, s1;
	[sflag:s0] =	ssyncset.done @!p0 $0x0  }
0x8c: {  	[sflag:s0] =	ssyncadd.s32 @!p0 s1  }
0x8d: {  	[bflag:$0x3] =	sbarrier.arrive $0xFFFF  }
0x8e: {  	_ =	shalt  }

</sc_bundles>
